<compile_context>
chip_gen: v7x
topology: tpu7x:2x2x1
jax: 0.10.2.dev20260603
libtpu: 0.0.44.dev20260713+nightly
codegen_flags: <defaults>
</compile_context>

<pallas_src>
import functools

import jax
import jax.numpy as jnp
from jax import lax
from jax.experimental import pallas as pl
from jax.experimental.pallas import tpu as pltpu
from jax.experimental.pallas import tpu_sc as plsc

_SQRT_HALF = 0.7071067811865476

_NC, _NS, _L = 2, 16, 16
_NW = _NC * _NS


def _gelu(x):
    return 0.5 * x * (1.0 + jax.lax.erf(x * _SQRT_HALF))


def _dot(a, b):
    return jnp.dot(a, b, preferred_element_type=jnp.float32)


def _bdot(a, b):
    return jnp.dot(a.astype(jnp.bfloat16), b, preferred_element_type=jnp.float32)


def _stage_a(x_ref, Wte_ref, bte_ref, l2e_ref, cle_ref, Wg_ref, bg_ref,
             xh_ref, ltl2_ref, ltcl_ref):
    xh = _gelu(_dot(x_ref[...], Wte_ref[...]) + bte_ref[...])
    xh_ref[...] = xh.astype(jnp.bfloat16)
    gl2 = _dot(xh + l2e_ref[...], Wg_ref[...]) + bg_ref[...]
    gcl = _dot(xh + cle_ref[...], Wg_ref[...]) + bg_ref[...]
    ltl2_ref[...] = gl2.T
    ltcl_ref[...] = gcl.T


def _route_chunk(lt_v, w_v, o, E):
    _BIG = 3.0e38
    vs = [lt_v[e, pl.ds(o, _L)] for e in range(E)]
    m = vs[0]
    for v in vs[1:]:
        m = jnp.maximum(m, v)
    exs = [jnp.exp(v - m) for v in vs]
    z = exs[0]
    for ex in exs[1:]:
        z = z + ex
    zi = 1.0 / z
    s1 = []
    free = None
    for v in vs:
        if free is None:
            s = jnp.where(v == m, 1.0, 0.0)
        else:
            s = jnp.where(v == m, free, 0.0)
        free = (1.0 - s) if free is None else (free - s)
        s1.append(s)
    vs2 = [v - s * _BIG for v, s in zip(vs, s1)]
    m2 = vs2[0]
    for v in vs2[1:]:
        m2 = jnp.maximum(m2, v)
    s2 = []
    free2 = None
    for v in vs2:
        if free2 is None:
            s = jnp.where(v == m2, 1.0, 0.0)
        else:
            s = jnp.where(v == m2, free2, 0.0)
        free2 = (1.0 - s) if free2 is None else (free2 - s)
        s2.append(s)
    for e in range(E):
        w_v[e, pl.ds(o, _L)] = (s1[e] + s2[e]) * (exs[e] * zi)


def _make_router(E, N):
    CH = N // _NW
    mesh = plsc.VectorSubcoreMesh(core_axis_name="c", subcore_axis_name="s")

    @functools.partial(
        pl.kernel,
        out_type=[jax.ShapeDtypeStruct((E, N), jnp.float32),
                  jax.ShapeDtypeStruct((E, N), jnp.float32)],
        mesh=mesh,
        scratch_types=[
            pltpu.VMEM((E, CH), jnp.float32),
            pltpu.VMEM((E, CH), jnp.float32),
            pltpu.VMEM((E, CH), jnp.float32),
            pltpu.VMEM((E, CH), jnp.float32),
        ],
    )
    def _router(ltl2_hbm, ltcl_hbm, wl2_hbm, wcl_hbm, l2_v, cl_v, w1_v, w2_v):
        wid = lax.axis_index("s") * _NC + lax.axis_index("c")
        base = wid * CH
        pltpu.sync_copy(ltl2_hbm.at[:, pl.ds(base, CH)], l2_v)
        pltpu.sync_copy(ltcl_hbm.at[:, pl.ds(base, CH)], cl_v)

        def body(j, carry):
            o = j * _L
            _route_chunk(l2_v, w1_v, o, E)
            _route_chunk(cl_v, w2_v, o, E)
            return carry

        lax.fori_loop(0, CH // _L, body, 0)
        pltpu.sync_copy(w1_v, wl2_hbm.at[:, pl.ds(base, CH)])
        pltpu.sync_copy(w2_v, wcl_hbm.at[:, pl.ds(base, CH)])

    return _router


def _stage_c(xh_ref, wl2t_ref, wclt_ref, l2e_ref, cle_ref, W1c_ref, b1f_ref,
             W2s_ref, b2_ref, rep_ref, lnl2g_ref, lnl2b_ref, lncg_ref,
             lncb_ref, Wt2i_ref, bt2i_ref, Wcl_ref, bcl_ref,
             l2r_ref, clr_ref, *, E, H):
    xh = xh_ref[...].astype(jnp.float32)

    def branch(emb_ref, wt_ref, g_ref, b_ref):
        inp = xh + emb_ref[...]
        w = wt_ref[...].T
        zpre = _bdot(inp, W1c_ref[...]) + b1f_ref[...]
        h = _gelu(zpre.astype(jnp.bfloat16))
        wrep = _bdot(w, rep_ref[...]).astype(jnp.bfloat16)
        moe = _dot(h * wrep, W2s_ref[...]) + _dot(w, b2_ref[...])
        mu = jnp.mean(moe, axis=-1, keepdims=True)
        var = jnp.mean((moe - mu) ** 2, axis=-1, keepdims=True)
        ln = g_ref[...] * (moe - mu) * jax.lax.rsqrt(var + 1e-5) + b_ref[...]
        return _gelu(ln) + inp

    l2o = branch(l2e_ref, wl2t_ref, lnl2g_ref, lnl2b_ref)
    clo = branch(cle_ref, wclt_ref, lncg_ref, lncb_ref)
    l2r_ref[...] = _bdot(l2o, Wt2i_ref[...]) + bt2i_ref[...]
    clr_ref[...] = _bdot(clo, Wcl_ref[...]) + bcl_ref[...]


def kernel(x, Wte, bte, l2_emb, cl_emb, Wg, bg, W1, b1, W2, b2,
           ln_l2_g, ln_l2_b, ln_cl_g, ln_cl_b, Wt2i, bt2i, Wcl, bcl):
    B, S, TD = x.shape
    H = Wte.shape[1]
    E = Wg.shape[1]
    N = B * S
    T = min(1024, N)
    xf = x.reshape(N, TD)
    W1c = W1.transpose(1, 0, 2).reshape(H, E * H).astype(jnp.bfloat16)
    b1f = b1.reshape(1, E * H)
    W2s = W2.reshape(E * H, H).astype(jnp.bfloat16)
    Wt2i = Wt2i.astype(jnp.bfloat16)
    Wcl = Wcl.astype(jnp.bfloat16)
    rep = jnp.repeat(jnp.eye(E, dtype=jnp.bfloat16), H, axis=1)

    row = lambda v: v.reshape(1, -1)
    full = lambda shape: pl.BlockSpec(shape, lambda i: (0, 0))
    grid = (N // T,)

    xh, ltl2, ltcl = pl.pallas_call(
        _stage_a,
        grid=grid,
        in_specs=[
            pl.BlockSpec((T, TD), lambda i: (i, 0)),
            full((TD, H)), full((1, H)), full((1, H)), full((1, H)),
            full((H, E)), full((1, E)),
        ],
        out_specs=[
            pl.BlockSpec((T, H), lambda i: (i, 0)),
            pl.BlockSpec((E, T), lambda i: (0, i)),
            pl.BlockSpec((E, T), lambda i: (0, i)),
        ],
        out_shape=[
            jax.ShapeDtypeStruct((N, H), jnp.bfloat16),
            jax.ShapeDtypeStruct((E, N), jnp.float32),
            jax.ShapeDtypeStruct((E, N), jnp.float32),
        ],
    )(xf, Wte, row(bte), row(l2_emb), row(cl_emb), Wg, row(bg))

    wl2t, wclt = _make_router(E, N)(ltl2, ltcl)

    out = pl.pallas_call(
        functools.partial(_stage_c, E=E, H=H),
        grid=grid,
        in_specs=[
            pl.BlockSpec((T, H), lambda i: (i, 0)),
            pl.BlockSpec((E, T), lambda i: (0, i)),
            pl.BlockSpec((E, T), lambda i: (0, i)),
            full((1, H)), full((1, H)),
            full((H, E * H)), full((1, E * H)),
            full((E * H, H)), full((E, H)), full((E, E * H)),
            full((1, H)), full((1, H)), full((1, H)), full((1, H)),
            full((H, TD)), full((1, TD)),
            full((H, H)), full((1, H)),
        ],
        out_specs=[
            pl.BlockSpec((T, TD), lambda i: (i, 0)),
            pl.BlockSpec((T, H), lambda i: (i, 0)),
        ],
        out_shape=[
            jax.ShapeDtypeStruct((N, TD), jnp.float32),
            jax.ShapeDtypeStruct((N, H), jnp.float32),
        ],
    )(xh, wl2t, wclt, row(l2_emb), row(cl_emb), W1c, b1f, W2s, b2, rep,
      row(ln_l2_g), row(ln_l2_b), row(ln_cl_g), row(ln_cl_b),
      Wt2i, row(bt2i), Wcl, row(bcl))
    l2r, clr = out
    return (l2r.reshape(B, S, TD), clr.reshape(B, S, H))

# --- scband reference (transcript-rebuilt; emitter-appended) ---
"""Pipeline reference for scband-mo-e-predictor-54339926229148 (READ-ONLY COPY).

The authoritative reference and input builder live on the scoring server;
editing this copy changes nothing except your own understanding.
"""

import jax, jax.numpy as jnp
import numpy as np

B, S, TD, IMG_D, H, E, K = 4, 4096, 1024, 768, 256, 8, 2


def _layer_norm(x, g, b, eps=1e-5):
    m = jnp.mean(x, axis=-1, keepdims=True)
    v = jnp.mean((x - m) ** 2, axis=-1, keepdims=True)
    return g * (x - m) / jnp.sqrt(v + eps) + b


def setup_inputs(seed: int = 0) -> dict:
    key = jax.random.key(seed)
    ks = jax.random.split(key, 16)
    s = 0.02
    return {
        "x": jax.random.normal(ks[0], (B, S, TD), dtype=jnp.float32),
        "Wte": jax.random.normal(ks[1], (TD, H), dtype=jnp.float32) * s,
        "bte": jnp.zeros((H,), dtype=jnp.float32),
        "l2_emb": jax.random.normal(ks[2], (1, 1, H), dtype=jnp.float32) * s,
        "cl_emb": jax.random.normal(ks[3], (1, 1, H), dtype=jnp.float32) * s,
        "Wg": jax.random.normal(ks[4], (H, E), dtype=jnp.float32) * s,
        "bg": jnp.zeros((E,), dtype=jnp.float32),
        "W1": jax.random.normal(ks[5], (E, H, H), dtype=jnp.float32) * s,
        "b1": jnp.zeros((E, H), dtype=jnp.float32),
        "W2": jax.random.normal(ks[6], (E, H, H), dtype=jnp.float32) * s,
        "b2": jnp.zeros((E, H), dtype=jnp.float32),
        "ln_l2_g": jnp.ones((H,), dtype=jnp.float32),
        "ln_l2_b": jnp.zeros((H,), dtype=jnp.float32),
        "ln_cl_g": jnp.ones((H,), dtype=jnp.float32),
        "ln_cl_b": jnp.zeros((H,), dtype=jnp.float32),
        "Wt2i": jax.random.normal(ks[7], (H, TD), dtype=jnp.float32) * s,
        "bt2i": jnp.zeros((TD,), dtype=jnp.float32),
        "Wcl": jax.random.normal(ks[8], (H, H), dtype=jnp.float32) * s,
        "bcl": jnp.zeros((H,), dtype=jnp.float32),
    }


def _forward_moe(inp, Wg, bg, W1, b1, W2, b2):
    logits = inp @ Wg + bg
    probs = jax.nn.softmax(logits, axis=-1)
    topv, topi = jax.lax.top_k(probs, K)
    h = jax.nn.gelu(jnp.einsum('bsh,ehf->bsef', inp, W1) + b1, approximate=False)
    expert_outputs = jnp.einsum('bsef,efg->bseg', h, W2) + b2  # (B,S,E,H)
    sel = jnp.take_along_axis(expert_outputs, topi[..., None], axis=2)  # (B,S,K,H)
    return jnp.sum(sel * topv[..., None], axis=2)


def reference(x, Wte, bte, l2_emb, cl_emb, Wg, bg, W1, b1, W2, b2,
              ln_l2_g, ln_l2_b, ln_cl_g, ln_cl_b, Wt2i, bt2i, Wcl, bcl):
    # task = 'text2image' (constant)
    xh = jax.nn.gelu(x @ Wte + bte, approximate=False)
    l2_input = xh + l2_emb
    cl_input = xh + cl_emb
    l2_out = _forward_moe(l2_input, Wg, bg, W1, b1, W2, b2)
    l2_out = _layer_norm(l2_out, ln_l2_g, ln_l2_b)
    l2_out = jax.nn.gelu(l2_out, approximate=False) + l2_input
    cl_out = _forward_moe(cl_input, Wg, bg, W1, b1, W2, b2)
    cl_out = _layer_norm(cl_out, ln_cl_g, ln_cl_b)
    cl_out = jax.nn.gelu(cl_out, approximate=False) + cl_input
    l2_result = l2_out @ Wt2i + bt2i
    cl_result = cl_out @ Wcl + bcl
    return (l2_result, cl_result)

if __name__ == "__main__":
    import jax
    _d = setup_inputs()
    print(jax.jit(kernel)(*tuple(_d.values())))

</pallas_src>

<mosaic_0001>
#map = affine_map<(d0, d1) -> (0, 0)>
module attributes {stable_mosaic.version = 14 : i64} {
  func.func @_router(%arg0: i32, %arg1: i32, %arg2: memref<8x16384xf32, #tpu.memory_space<hbm>>, %arg3: memref<8x16384xf32, #tpu.memory_space<hbm>>, %arg4: memref<8x16384xf32, #tpu.memory_space<hbm>>, %arg5: memref<8x16384xf32, #tpu.memory_space<hbm>>, %arg6: memref<8x512xf32, #tpu.memory_space<vmem>>, %arg7: memref<8x512xf32, #tpu.memory_space<vmem>>, %arg8: memref<8x512xf32, #tpu.memory_space<vmem>>, %arg9: memref<8x512xf32, #tpu.memory_space<vmem>>) attributes {dimension_semantics = [#tpu.dimension_semantics<core_parallel>, #tpu.dimension_semantics<subcore_parallel>], iteration_bounds = array<i64: 2, 16>, scalar_prefetch = 0 : i64, scratch_operands = 4 : i64, tpu.core_type = #tpu.core_type<sc_vector_subcore>, window_params = [{transform_indices = #map}, {transform_indices = #map}, {transform_indices = #map}, {transform_indices = #map}]} {
    %mul3A = arith.constant 2 : i32
    %mul3A_0 = arith.muli %arg1, %mul3A : i32
    %add3A = arith.addi %mul3A_0, %arg0 : i32
    %mul3A_1 = arith.constant 512 : i32
    %mul3A_2 = arith.muli %add3A, %mul3A_1 : i32
    "tpu.region"() ({
      %run_scoped3A = tpu.sem_alloc : memref<!tpu.dma_semaphore, #tpu.memory_space<semaphore_mem>>
      %dma_start3A = arith.constant 0 : i32
      %dma_start3A_8 = tpu.memref_slice %arg2[%dma_start3A, %mul3A_2] : memref<8x16384xf32, #tpu.memory_space<hbm>> -> memref<8x512xf32, #tpu.memory_space<hbm>>
      %dma_start3A_9 = arith.constant 0 : i32
      %dma_start3A_10 = tpu.memref_slice %arg2[%dma_start3A_9, %mul3A_2] : memref<8x16384xf32, #tpu.memory_space<hbm>> -> memref<8x512xf32, #tpu.memory_space<hbm>>
      tpu.enqueue_dma source(%dma_start3A_10 : memref<8x512xf32, #tpu.memory_space<hbm>>) target(%arg6 : memref<8x512xf32, #tpu.memory_space<vmem>>) target_semaphore(%run_scoped3A : memref<!tpu.dma_semaphore, #tpu.memory_space<semaphore_mem>>)
      %dma_wait3A = arith.constant 0 : i32
      %dma_wait3A_11 = tpu.memref_slice %arg2[%dma_wait3A, %mul3A_2] : memref<8x16384xf32, #tpu.memory_space<hbm>> -> memref<8x512xf32, #tpu.memory_space<hbm>>
      %dma_wait3A_12 = arith.constant 0 : i32
      %dma_wait3A_13 = tpu.memref_slice %arg2[%dma_wait3A_12, %mul3A_2] : memref<8x16384xf32, #tpu.memory_space<hbm>> -> memref<8x512xf32, #tpu.memory_space<hbm>>
      tpu.wait_dma2 semaphore(%run_scoped3A : memref<!tpu.dma_semaphore, #tpu.memory_space<semaphore_mem>>) src(%dma_wait3A_13 : memref<8x512xf32, #tpu.memory_space<hbm>>) dst(%arg6 : memref<8x512xf32, #tpu.memory_space<vmem>>)
      tpu.yield
    }) : () -> ()
    "tpu.region"() ({
      %run_scoped3A = tpu.sem_alloc : memref<!tpu.dma_semaphore, #tpu.memory_space<semaphore_mem>>
      %dma_start3A = arith.constant 0 : i32
      %dma_start3A_8 = tpu.memref_slice %arg3[%dma_start3A, %mul3A_2] : memref<8x16384xf32, #tpu.memory_space<hbm>> -> memref<8x512xf32, #tpu.memory_space<hbm>>
      %dma_start3A_9 = arith.constant 0 : i32
      %dma_start3A_10 = tpu.memref_slice %arg3[%dma_start3A_9, %mul3A_2] : memref<8x16384xf32, #tpu.memory_space<hbm>> -> memref<8x512xf32, #tpu.memory_space<hbm>>
      tpu.enqueue_dma source(%dma_start3A_10 : memref<8x512xf32, #tpu.memory_space<hbm>>) target(%arg7 : memref<8x512xf32, #tpu.memory_space<vmem>>) target_semaphore(%run_scoped3A : memref<!tpu.dma_semaphore, #tpu.memory_space<semaphore_mem>>)
      %dma_wait3A = arith.constant 0 : i32
      %dma_wait3A_11 = tpu.memref_slice %arg3[%dma_wait3A, %mul3A_2] : memref<8x16384xf32, #tpu.memory_space<hbm>> -> memref<8x512xf32, #tpu.memory_space<hbm>>
      %dma_wait3A_12 = arith.constant 0 : i32
      %dma_wait3A_13 = tpu.memref_slice %arg3[%dma_wait3A_12, %mul3A_2] : memref<8x16384xf32, #tpu.memory_space<hbm>> -> memref<8x512xf32, #tpu.memory_space<hbm>>
      tpu.wait_dma2 semaphore(%run_scoped3A : memref<!tpu.dma_semaphore, #tpu.memory_space<semaphore_mem>>) src(%dma_wait3A_13 : memref<8x512xf32, #tpu.memory_space<hbm>>) dst(%arg7 : memref<8x512xf32, #tpu.memory_space<vmem>>)
      tpu.yield
    }) : () -> ()
    %scan3A = arith.constant 0 : i32
    %scan3A_3 = arith.constant 0 : i32
    %scan3A_4 = arith.constant 32 : i32
    %scan3A_5 = arith.addi %scan3A_3, %scan3A_4 : i32
    %scan3A_6 = arith.constant 1 : i32
    scf.for %scan3A_8 = %scan3A_3 to %scan3A_5 step %scan3A_6  : i32 {
      %mul3A_9 = arith.constant 16 : i32
      %mul3A_10 = arith.muli %scan3A_8, %mul3A_9 : i32
      %get3A = arith.constant 0 : i32
      %get3A_11 = arith.index_cast %get3A : i32 to index
      %get3A_12 = arith.index_cast %mul3A_10 : i32 to index
      %get3A_13 = tpu.vector_load %arg6[%get3A_11, %get3A_12] {strides = array<i32>} : memref<8x512xf32, #tpu.memory_space<vmem>>, vector<1x16xf32>,
      %get3A_14 = vector.shape_cast %get3A_13 : vector<1x16xf32> to vector<16xf32>
      %get3A_15 = arith.constant 1 : i32
      %get3A_16 = arith.index_cast %get3A_15 : i32 to index
      %get3A_17 = arith.index_cast %mul3A_10 : i32 to index
      %get3A_18 = tpu.vector_load %arg6[%get3A_16, %get3A_17] {strides = array<i32>} : memref<8x512xf32, #tpu.memory_space<vmem>>, vector<1x16xf32>,
      %get3A_19 = vector.shape_cast %get3A_18 : vector<1x16xf32> to vector<16xf32>
      %get3A_20 = arith.constant 2 : i32
      %get3A_21 = arith.index_cast %get3A_20 : i32 to index
      %get3A_22 = arith.index_cast %mul3A_10 : i32 to index
      %get3A_23 = tpu.vector_load %arg6[%get3A_21, %get3A_22] {strides = array<i32>} : memref<8x512xf32, #tpu.memory_space<vmem>>, vector<1x16xf32>,
      %get3A_24 = vector.shape_cast %get3A_23 : vector<1x16xf32> to vector<16xf32>
      %get3A_25 = arith.constant 3 : i32
      %get3A_26 = arith.index_cast %get3A_25 : i32 to index
      %get3A_27 = arith.index_cast %mul3A_10 : i32 to index
      %get3A_28 = tpu.vector_load %arg6[%get3A_26, %get3A_27] {strides = array<i32>} : memref<8x512xf32, #tpu.memory_space<vmem>>, vector<1x16xf32>,
      %get3A_29 = vector.shape_cast %get3A_28 : vector<1x16xf32> to vector<16xf32>
      %get3A_30 = arith.constant 4 : i32
      %get3A_31 = arith.index_cast %get3A_30 : i32 to index
      %get3A_32 = arith.index_cast %mul3A_10 : i32 to index
      %get3A_33 = tpu.vector_load %arg6[%get3A_31, %get3A_32] {strides = array<i32>} : memref<8x512xf32, #tpu.memory_space<vmem>>, vector<1x16xf32>,
      %get3A_34 = vector.shape_cast %get3A_33 : vector<1x16xf32> to vector<16xf32>
      %get3A_35 = arith.constant 5 : i32
      %get3A_36 = arith.index_cast %get3A_35 : i32 to index
      %get3A_37 = arith.index_cast %mul3A_10 : i32 to index
      %get3A_38 = tpu.vector_load %arg6[%get3A_36, %get3A_37] {strides = array<i32>} : memref<8x512xf32, #tpu.memory_space<vmem>>, vector<1x16xf32>,
      %get3A_39 = vector.shape_cast %get3A_38 : vector<1x16xf32> to vector<16xf32>
      %get3A_40 = arith.constant 6 : i32
      %get3A_41 = arith.index_cast %get3A_40 : i32 to index
      %get3A_42 = arith.index_cast %mul3A_10 : i32 to index
      %get3A_43 = tpu.vector_load %arg6[%get3A_41, %get3A_42] {strides = array<i32>} : memref<8x512xf32, #tpu.memory_space<vmem>>, vector<1x16xf32>,
      %get3A_44 = vector.shape_cast %get3A_43 : vector<1x16xf32> to vector<16xf32>
      %get3A_45 = arith.constant 7 : i32
      %get3A_46 = arith.index_cast %get3A_45 : i32 to index
      %get3A_47 = arith.index_cast %mul3A_10 : i32 to index
      %get3A_48 = tpu.vector_load %arg6[%get3A_46, %get3A_47] {strides = array<i32>} : memref<8x512xf32, #tpu.memory_space<vmem>>, vector<1x16xf32>,
      %get3A_49 = vector.shape_cast %get3A_48 : vector<1x16xf32> to vector<16xf32>
      %max3A = arith.maximumf %get3A_14, %get3A_19 : vector<16xf32>
      %max3A_50 = arith.maximumf %max3A, %get3A_24 : vector<16xf32>
      %max3A_51 = arith.maximumf %max3A_50, %get3A_29 : vector<16xf32>
      %max3A_52 = arith.maximumf %max3A_51, %get3A_34 : vector<16xf32>
      %max3A_53 = arith.maximumf %max3A_52, %get3A_39 : vector<16xf32>
      %max3A_54 = arith.maximumf %max3A_53, %get3A_44 : vector<16xf32>
      %max3A_55 = arith.maximumf %max3A_54, %get3A_49 : vector<16xf32>
      %sub3A = arith.subf %get3A_14, %max3A_55 : vector<16xf32>
      %exp3A = math.exp %sub3A : vector<16xf32>
      %sub3A_56 = arith.subf %get3A_19, %max3A_55 : vector<16xf32>
      %exp3A_57 = math.exp %sub3A_56 : vector<16xf32>
      %sub3A_58 = arith.subf %get3A_24, %max3A_55 : vector<16xf32>
      %exp3A_59 = math.exp %sub3A_58 : vector<16xf32>
      %sub3A_60 = arith.subf %get3A_29, %max3A_55 : vector<16xf32>
      %exp3A_61 = math.exp %sub3A_60 : vector<16xf32>
      %sub3A_62 = arith.subf %get3A_34, %max3A_55 : vector<16xf32>
      %exp3A_63 = math.exp %sub3A_62 : vector<16xf32>
      %sub3A_64 = arith.subf %get3A_39, %max3A_55 : vector<16xf32>
      %exp3A_65 = math.exp %sub3A_64 : vector<16xf32>
      %sub3A_66 = arith.subf %get3A_44, %max3A_55 : vector<16xf32>
      %exp3A_67 = math.exp %sub3A_66 : vector<16xf32>
      %sub3A_68 = arith.subf %get3A_49, %max3A_55 : vector<16xf32>
      %exp3A_69 = math.exp %sub3A_68 : vector<16xf32>
      %add3A_70 = arith.addf %exp3A, %exp3A_57 : vector<16xf32>
      %add3A_71 = arith.addf %add3A_70, %exp3A_59 : vector<16xf32>
      %add3A_72 = arith.addf %add3A_71, %exp3A_61 : vector<16xf32>
      %add3A_73 = arith.addf %add3A_72, %exp3A_63 : vector<16xf32>
      %add3A_74 = arith.addf %add3A_73, %exp3A_65 : vector<16xf32>
      %add3A_75 = arith.addf %add3A_74, %exp3A_67 : vector<16xf32>
      %add3A_76 = arith.addf %add3A_75, %exp3A_69 : vector<16xf32>
      %div3A = arith.constant 1.000000e+00 : f32
      %div3A_77 = vector.broadcast %div3A : f32 to vector<16xf32>
      %div3A_78 = arith.divf %div3A_77, %add3A_76 : vector<16xf32>
      %eq3A = arith.cmpf oeq, %get3A_14, %max3A_55 : vector<16xf32>
      %jit3A = arith.constant 1.000000e+00 : f32
      %jit3A_79 = arith.constant 0.000000e+00 : f32
      %broadcast_in_dim3A = vector.broadcast %jit3A : f32 to vector<16xf32>
      %broadcast_in_dim3A_80 = vector.broadcast %jit3A_79 : f32 to vector<16xf32>
      %select_n3A = arith.select %eq3A, %broadcast_in_dim3A, %broadcast_in_dim3A_80 : vector<16xi1>, vector<16xf32>
      %sub3A_81 = arith.constant 1.000000e+00 : f32
      %sub3A_82 = vector.broadcast %sub3A_81 : f32 to vector<16xf32>
      %sub3A_83 = arith.subf %sub3A_82, %select_n3A : vector<16xf32>
      %eq3A_84 = arith.cmpf oeq, %get3A_19, %max3A_55 : vector<16xf32>
      %jit3A_85 = arith.constant 0.000000e+00 : f32
      %broadcast_in_dim3A_86 = vector.broadcast %jit3A_85 : f32 to vector<16xf32>
      %select_n3A_87 = arith.select %eq3A_84, %sub3A_83, %broadcast_in_dim3A_86 : vector<16xi1>, vector<16xf32>
      %sub3A_88 = arith.subf %sub3A_83, %select_n3A_87 : vector<16xf32>
      %eq3A_89 = arith.cmpf oeq, %get3A_24, %max3A_55 : vector<16xf32>
      %jit3A_90 = arith.constant 0.000000e+00 : f32
      %broadcast_in_dim3A_91 = vector.broadcast %jit3A_90 : f32 to vector<16xf32>
      %select_n3A_92 = arith.select %eq3A_89, %sub3A_88, %broadcast_in_dim3A_91 : vector<16xi1>, vector<16xf32>
      %sub3A_93 = arith.subf %sub3A_88, %select_n3A_92 : vector<16xf32>
      %eq3A_94 = arith.cmpf oeq, %get3A_29, %max3A_55 : vector<16xf32>
      %jit3A_95 = arith.constant 0.000000e+00 : f32
      %broadcast_in_dim3A_96 = vector.broadcast %jit3A_95 : f32 to vector<16xf32>
      %select_n3A_97 = arith.select %eq3A_94, %sub3A_93, %broadcast_in_dim3A_96 : vector<16xi1>, vector<16xf32>
      %sub3A_98 = arith.subf %sub3A_93, %select_n3A_97 : vector<16xf32>
      %eq3A_99 = arith.cmpf oeq, %get3A_34, %max3A_55 : vector<16xf32>
      %jit3A_100 = arith.constant 0.000000e+00 : f32
      %broadcast_in_dim3A_101 = vector.broadcast %jit3A_100 : f32 to vector<16xf32>
      %select_n3A_102 = arith.select %eq3A_99, %sub3A_98, %broadcast_in_dim3A_101 : vector<16xi1>, vector<16xf32>
      %sub3A_103 = arith.subf %sub3A_98, %select_n3A_102 : vector<16xf32>
      %eq3A_104 = arith.cmpf oeq, %get3A_39, %max3A_55 : vector<16xf32>
      %jit3A_105 = arith.constant 0.000000e+00 : f32
      %broadcast_in_dim3A_106 = vector.broadcast %jit3A_105 : f32 to vector<16xf32>
      %select_n3A_107 = arith.select %eq3A_104, %sub3A_103, %broadcast_in_dim3A_106 : vector<16xi1>, vector<16xf32>
      %sub3A_108 = arith.subf %sub3A_103, %select_n3A_107 : vector<16xf32>
      %eq3A_109 = arith.cmpf oeq, %get3A_44, %max3A_55 : vector<16xf32>
      %jit3A_110 = arith.constant 0.000000e+00 : f32
      %broadcast_in_dim3A_111 = vector.broadcast %jit3A_110 : f32 to vector<16xf32>
      %select_n3A_112 = arith.select %eq3A_109, %sub3A_108, %broadcast_in_dim3A_111 : vector<16xi1>, vector<16xf32>
      %sub3A_113 = arith.subf %sub3A_108, %select_n3A_112 : vector<16xf32>
      %eq3A_114 = arith.cmpf oeq, %get3A_49, %max3A_55 : vector<16xf32>
      %jit3A_115 = arith.constant 0.000000e+00 : f32
      %broadcast_in_dim3A_116 = vector.broadcast %jit3A_115 : f32 to vector<16xf32>
      %select_n3A_117 = arith.select %eq3A_114, %sub3A_113, %broadcast_in_dim3A_116 : vector<16xi1>, vector<16xf32>
      %sub3A_118 = arith.subf %sub3A_113, %select_n3A_117 : vector<16xf32>
      %mul3A_119 = arith.constant 3.000000e+38 : f32
      %mul3A_120 = vector.broadcast %mul3A_119 : f32 to vector<16xf32>
      %mul3A_121 = arith.mulf %select_n3A, %mul3A_120 : vector<16xf32>
      %sub3A_122 = arith.subf %get3A_14, %mul3A_121 : vector<16xf32>
      %mul3A_123 = arith.constant 3.000000e+38 : f32
      %mul3A_124 = vector.broadcast %mul3A_123 : f32 to vector<16xf32>
      %mul3A_125 = arith.mulf %select_n3A_87, %mul3A_124 : vector<16xf32>
      %sub3A_126 = arith.subf %get3A_19, %mul3A_125 : vector<16xf32>
      %mul3A_127 = arith.constant 3.000000e+38 : f32
      %mul3A_128 = vector.broadcast %mul3A_127 : f32 to vector<16xf32>
      %mul3A_129 = arith.mulf %select_n3A_92, %mul3A_128 : vector<16xf32>
      %sub3A_130 = arith.subf %get3A_24, %mul3A_129 : vector<16xf32>
      %mul3A_131 = arith.constant 3.000000e+38 : f32
      %mul3A_132 = vector.broadcast %mul3A_131 : f32 to vector<16xf32>
      %mul3A_133 = arith.mulf %select_n3A_97, %mul3A_132 : vector<16xf32>
      %sub3A_134 = arith.subf %get3A_29, %mul3A_133 : vector<16xf32>
      %mul3A_135 = arith.constant 3.000000e+38 : f32
      %mul3A_136 = vector.broadcast %mul3A_135 : f32 to vector<16xf32>
      %mul3A_137 = arith.mulf %select_n3A_102, %mul3A_136 : vector<16xf32>
      %sub3A_138 = arith.subf %get3A_34, %mul3A_137 : vector<16xf32>
      %mul3A_139 = arith.constant 3.000000e+38 : f32
      %mul3A_140 = vector.broadcast %mul3A_139 : f32 to vector<16xf32>
      %mul3A_141 = arith.mulf %select_n3A_107, %mul3A_140 : vector<16xf32>
      %sub3A_142 = arith.subf %get3A_39, %mul3A_141 : vector<16xf32>
      %mul3A_143 = arith.constant 3.000000e+38 : f32
      %mul3A_144 = vector.broadcast %mul3A_143 : f32 to vector<16xf32>
      %mul3A_145 = arith.mulf %select_n3A_112, %mul3A_144 : vector<16xf32>
      %sub3A_146 = arith.subf %get3A_44, %mul3A_145 : vector<16xf32>
      %mul3A_147 = arith.constant 3.000000e+38 : f32
      %mul3A_148 = vector.broadcast %mul3A_147 : f32 to vector<16xf32>
      %mul3A_149 = arith.mulf %select_n3A_117, %mul3A_148 : vector<16xf32>
      %sub3A_150 = arith.subf %get3A_49, %mul3A_149 : vector<16xf32>
      %max3A_151 = arith.maximumf %sub3A_122, %sub3A_126 : vector<16xf32>
      %max3A_152 = arith.maximumf %max3A_151, %sub3A_130 : vector<16xf32>
      %max3A_153 = arith.maximumf %max3A_152, %sub3A_134 : vector<16xf32>
      %max3A_154 = arith.maximumf %max3A_153, %sub3A_138 : vector<16xf32>
      %max3A_155 = arith.maximumf %max3A_154, %sub3A_142 : vector<16xf32>
      %max3A_156 = arith.maximumf %max3A_155, %sub3A_146 : vector<16xf32>
      %max3A_157 = arith.maximumf %max3A_156, %sub3A_150 : vector<16xf32>
      %eq3A_158 = arith.cmpf oeq, %sub3A_122, %max3A_157 : vector<16xf32>
      %jit3A_159 = arith.constant 1.000000e+00 : f32
      %jit3A_160 = arith.constant 0.000000e+00 : f32
      %broadcast_in_dim3A_161 = vector.broadcast %jit3A_159 : f32 to vector<16xf32>
      %broadcast_in_dim3A_162 = vector.broadcast %jit3A_160 : f32 to vector<16xf32>
      %select_n3A_163 = arith.select %eq3A_158, %broadcast_in_dim3A_161, %broadcast_in_dim3A_162 : vector<16xi1>, vector<16xf32>
      %sub3A_164 = arith.constant 1.000000e+00 : f32
      %sub3A_165 = vector.broadcast %sub3A_164 : f32 to vector<16xf32>
      %sub3A_166 = arith.subf %sub3A_165, %select_n3A_163 : vector<16xf32>
      %eq3A_167 = arith.cmpf oeq, %sub3A_126, %max3A_157 : vector<16xf32>
      %jit3A_168 = arith.constant 0.000000e+00 : f32
      %broadcast_in_dim3A_169 = vector.broadcast %jit3A_168 : f32 to vector<16xf32>
      %select_n3A_170 = arith.select %eq3A_167, %sub3A_166, %broadcast_in_dim3A_169 : vector<16xi1>, vector<16xf32>
      %sub3A_171 = arith.subf %sub3A_166, %select_n3A_170 : vector<16xf32>
      %eq3A_172 = arith.cmpf oeq, %sub3A_130, %max3A_157 : vector<16xf32>
      %jit3A_173 = arith.constant 0.000000e+00 : f32
      %broadcast_in_dim3A_174 = vector.broadcast %jit3A_173 : f32 to vector<16xf32>
      %select_n3A_175 = arith.select %eq3A_172, %sub3A_171, %broadcast_in_dim3A_174 : vector<16xi1>, vector<16xf32>
      %sub3A_176 = arith.subf %sub3A_171, %select_n3A_175 : vector<16xf32>
      %eq3A_177 = arith.cmpf oeq, %sub3A_134, %max3A_157 : vector<16xf32>
      %jit3A_178 = arith.constant 0.000000e+00 : f32
      %broadcast_in_dim3A_179 = vector.broadcast %jit3A_178 : f32 to vector<16xf32>
      %select_n3A_180 = arith.select %eq3A_177, %sub3A_176, %broadcast_in_dim3A_179 : vector<16xi1>, vector<16xf32>
      %sub3A_181 = arith.subf %sub3A_176, %select_n3A_180 : vector<16xf32>
      %eq3A_182 = arith.cmpf oeq, %sub3A_138, %max3A_157 : vector<16xf32>
      %jit3A_183 = arith.constant 0.000000e+00 : f32
      %broadcast_in_dim3A_184 = vector.broadcast %jit3A_183 : f32 to vector<16xf32>
      %select_n3A_185 = arith.select %eq3A_182, %sub3A_181, %broadcast_in_dim3A_184 : vector<16xi1>, vector<16xf32>
      %sub3A_186 = arith.subf %sub3A_181, %select_n3A_185 : vector<16xf32>
      %eq3A_187 = arith.cmpf oeq, %sub3A_142, %max3A_157 : vector<16xf32>
      %jit3A_188 = arith.constant 0.000000e+00 : f32
      %broadcast_in_dim3A_189 = vector.broadcast %jit3A_188 : f32 to vector<16xf32>
      %select_n3A_190 = arith.select %eq3A_187, %sub3A_186, %broadcast_in_dim3A_189 : vector<16xi1>, vector<16xf32>
      %sub3A_191 = arith.subf %sub3A_186, %select_n3A_190 : vector<16xf32>
      %eq3A_192 = arith.cmpf oeq, %sub3A_146, %max3A_157 : vector<16xf32>
      %jit3A_193 = arith.constant 0.000000e+00 : f32
      %broadcast_in_dim3A_194 = vector.broadcast %jit3A_193 : f32 to vector<16xf32>
      %select_n3A_195 = arith.select %eq3A_192, %sub3A_191, %broadcast_in_dim3A_194 : vector<16xi1>, vector<16xf32>
      %sub3A_196 = arith.subf %sub3A_191, %select_n3A_195 : vector<16xf32>
      %eq3A_197 = arith.cmpf oeq, %sub3A_150, %max3A_157 : vector<16xf32>
      %jit3A_198 = arith.constant 0.000000e+00 : f32
      %broadcast_in_dim3A_199 = vector.broadcast %jit3A_198 : f32 to vector<16xf32>
      %select_n3A_200 = arith.select %eq3A_197, %sub3A_196, %broadcast_in_dim3A_199 : vector<16xi1>, vector<16xf32>
      %sub3A_201 = arith.subf %sub3A_196, %select_n3A_200 : vector<16xf32>
      %add3A_202 = arith.addf %select_n3A, %select_n3A_163 : vector<16xf32>
      %mul3A_203 = arith.mulf %exp3A, %div3A_78 : vector<16xf32>
      %mul3A_204 = arith.mulf %add3A_202, %mul3A_203 : vector<16xf32>
      %swap3A = arith.constant 0 : i32
      %swap3A_205 = arith.index_cast %swap3A : i32 to index
      %swap3A_206 = arith.index_cast %mul3A_10 : i32 to index
      %swap3A_207 = tpu.vector_load %arg8[%swap3A_205, %swap3A_206] {strides = array<i32>} : memref<8x512xf32, #tpu.memory_space<vmem>>, vector<1x16xf32>,
      %swap3A_208 = vector.shape_cast %swap3A_207 : vector<1x16xf32> to vector<16xf32>
      %swap3A_209 = vector.shape_cast %mul3A_204 : vector<16xf32> to vector<1x16xf32>
      tpu.vector_store %arg8[%swap3A_205, %swap3A_206], %swap3A_209 {strides = array<i32>} : memref<8x512xf32, #tpu.memory_space<vmem>>, vector<1x16xf32>,
      %add3A_210 = arith.addf %select_n3A_87, %select_n3A_170 : vector<16xf32>
      %mul3A_211 = arith.mulf %exp3A_57, %div3A_78 : vector<16xf32>
      %mul3A_212 = arith.mulf %add3A_210, %mul3A_211 : vector<16xf32>
      %swap3A_213 = arith.constant 1 : i32
      %swap3A_214 = arith.index_cast %swap3A_213 : i32 to index
      %swap3A_215 = arith.index_cast %mul3A_10 : i32 to index
      %swap3A_216 = tpu.vector_load %arg8[%swap3A_214, %swap3A_215] {strides = array<i32>} : memref<8x512xf32, #tpu.memory_space<vmem>>, vector<1x16xf32>,
      %swap3A_217 = vector.shape_cast %swap3A_216 : vector<1x16xf32> to vector<16xf32>
      %swap3A_218 = vector.shape_cast %mul3A_212 : vector<16xf32> to vector<1x16xf32>
      tpu.vector_store %arg8[%swap3A_214, %swap3A_215], %swap3A_218 {strides = array<i32>} : memref<8x512xf32, #tpu.memory_space<vmem>>, vector<1x16xf32>,
      %add3A_219 = arith.addf %select_n3A_92, %select_n3A_175 : vector<16xf32>
      %mul3A_220 = arith.mulf %exp3A_59, %div3A_78 : vector<16xf32>
      %mul3A_221 = arith.mulf %add3A_219, %mul3A_220 : vector<16xf32>
      %swap3A_222 = arith.constant 2 : i32
      %swap3A_223 = arith.index_cast %swap3A_222 : i32 to index
      %swap3A_224 = arith.index_cast %mul3A_10 : i32 to index
      %swap3A_225 = tpu.vector_load %arg8[%swap3A_223, %swap3A_224] {strides = array<i32>} : memref<8x512xf32, #tpu.memory_space<vmem>>, vector<1x16xf32>,
      %swap3A_226 = vector.shape_cast %swap3A_225 : vector<1x16xf32> to vector<16xf32>
      %swap3A_227 = vector.shape_cast %mul3A_221 : vector<16xf32> to vector<1x16xf32>
      tpu.vector_store %arg8[%swap3A_223, %swap3A_224], %swap3A_227 {strides = array<i32>} : memref<8x512xf32, #tpu.memory_space<vmem>>, vector<1x16xf32>,
      %add3A_228 = arith.addf %select_n3A_97, %select_n3A_180 : vector<16xf32>
      %mul3A_229 = arith.mulf %exp3A_61, %div3A_78 : vector<16xf32>
      %mul3A_230 = arith.mulf %add3A_228, %mul3A_229 : vector<16xf32>
      %swap3A_231 = arith.constant 3 : i32
      %swap3A_232 = arith.index_cast %swap3A_231 : i32 to index
      %swap3A_233 = arith.index_cast %mul3A_10 : i32 to index
      %swap3A_234 = tpu.vector_load %arg8[%swap3A_232, %swap3A_233] {strides = array<i32>} : memref<8x512xf32, #tpu.memory_space<vmem>>, vector<1x16xf32>,
      %swap3A_235 = vector.shape_cast %swap3A_234 : vector<1x16xf32> to vector<16xf32>
      %swap3A_236 = vector.shape_cast %mul3A_230 : vector<16xf32> to vector<1x16xf32>
      tpu.vector_store %arg8[%swap3A_232, %swap3A_233], %swap3A_236 {strides = array<i32>} : memref<8x512xf32, #tpu.memory_space<vmem>>, vector<1x16xf32>,
      %add3A_237 = arith.addf %select_n3A_102, %select_n3A_185 : vector<16xf32>
      %mul3A_238 = arith.mulf %exp3A_63, %div3A_78 : vector<16xf32>
      %mul3A_239 = arith.mulf %add3A_237, %mul3A_238 : vector<16xf32>
      %swap3A_240 = arith.constant 4 : i32
      %swap3A_241 = arith.index_cast %swap3A_240 : i32 to index
      %swap3A_242 = arith.index_cast %mul3A_10 : i32 to index
      %swap3A_243 = tpu.vector_load %arg8[%swap3A_241, %swap3A_242] {strides = array<i32>} : memref<8x512xf32, #tpu.memory_space<vmem>>, vector<1x16xf32>,
      %swap3A_244 = vector.shape_cast %swap3A_243 : vector<1x16xf32> to vector<16xf32>
      %swap3A_245 = vector.shape_cast %mul3A_239 : vector<16xf32> to vector<1x16xf32>
      tpu.vector_store %arg8[%swap3A_241, %swap3A_242], %swap3A_245 {strides = array<i32>} : memref<8x512xf32, #tpu.memory_space<vmem>>, vector<1x16xf32>,
      %add3A_246 = arith.addf %select_n3A_107, %select_n3A_190 : vector<16xf32>
      %mul3A_247 = arith.mulf %exp3A_65, %div3A_78 : vector<16xf32>
      %mul3A_248 = arith.mulf %add3A_246, %mul3A_247 : vector<16xf32>
      %swap3A_249 = arith.constant 5 : i32
      %swap3A_250 = arith.index_cast %swap3A_249 : i32 to index
      %swap3A_251 = arith.index_cast %mul3A_10 : i32 to index
      %swap3A_252 = tpu.vector_load %arg8[%swap3A_250, %swap3A_251] {strides = array<i32>} : memref<8x512xf32, #tpu.memory_space<vmem>>, vector<1x16xf32>,
      %swap3A_253 = vector.shape_cast %swap3A_252 : vector<1x16xf32> to vector<16xf32>
      %swap3A_254 = vector.shape_cast %mul3A_248 : vector<16xf32> to vector<1x16xf32>
      tpu.vector_store %arg8[%swap3A_250, %swap3A_251], %swap3A_254 {strides = array<i32>} : memref<8x512xf32, #tpu.memory_space<vmem>>, vector<1x16xf32>,
      %add3A_255 = arith.addf %select_n3A_112, %select_n3A_195 : vector<16xf32>
      %mul3A_256 = arith.mulf %exp3A_67, %div3A_78 : vector<16xf32>
      %mul3A_257 = arith.mulf %add3A_255, %mul3A_256 : vector<16xf32>
      %swap3A_258 = arith.constant 6 : i32
      %swap3A_259 = arith.index_cast %swap3A_258 : i32 to index
      %swap3A_260 = arith.index_cast %mul3A_10 : i32 to index
      %swap3A_261 = tpu.vector_load %arg8[%swap3A_259, %swap3A_260] {strides = array<i32>} : memref<8x512xf32, #tpu.memory_space<vmem>>, vector<1x16xf32>,
      %swap3A_262 = vector.shape_cast %swap3A_261 : vector<1x16xf32> to vector<16xf32>
      %swap3A_263 = vector.shape_cast %mul3A_257 : vector<16xf32> to vector<1x16xf32>
      tpu.vector_store %arg8[%swap3A_259, %swap3A_260], %swap3A_263 {strides = array<i32>} : memref<8x512xf32, #tpu.memory_space<vmem>>, vector<1x16xf32>,
      %add3A_264 = arith.addf %select_n3A_117, %select_n3A_200 : vector<16xf32>
      %mul3A_265 = arith.mulf %exp3A_69, %div3A_78 : vector<16xf32>
      %mul3A_266 = arith.mulf %add3A_264, %mul3A_265 : vector<16xf32>
      %swap3A_267 = arith.constant 7 : i32
      %swap3A_268 = arith.index_cast %swap3A_267 : i32 to index
      %swap3A_269 = arith.index_cast %mul3A_10 : i32 to index
      %swap3A_270 = tpu.vector_load %arg8[%swap3A_268, %swap3A_269] {strides = array<i32>} : memref<8x512xf32, #tpu.memory_space<vmem>>, vector<1x16xf32>,
      %swap3A_271 = vector.shape_cast %swap3A_270 : vector<1x16xf32> to vector<16xf32>
      %swap3A_272 = vector.shape_cast %mul3A_266 : vector<16xf32> to vector<1x16xf32>
      tpu.vector_store %arg8[%swap3A_268, %swap3A_269], %swap3A_272 {strides = array<i32>} : memref<8x512xf32, #tpu.memory_space<vmem>>, vector<1x16xf32>,
      %get3A_273 = arith.constant 0 : i32
      %get3A_274 = arith.index_cast %get3A_273 : i32 to index
      %get3A_275 = arith.index_cast %mul3A_10 : i32 to index
      %get3A_276 = tpu.vector_load %arg7[%get3A_274, %get3A_275] {strides = array<i32>} : memref<8x512xf32, #tpu.memory_space<vmem>>, vector<1x16xf32>,
      %get3A_277 = vector.shape_cast %get3A_276 : vector<1x16xf32> to vector<16xf32>
      %get3A_278 = arith.constant 1 : i32
      %get3A_279 = arith.index_cast %get3A_278 : i32 to index
      %get3A_280 = arith.index_cast %mul3A_10 : i32 to index
      %get3A_281 = tpu.vector_load %arg7[%get3A_279, %get3A_280] {strides = array<i32>} : memref<8x512xf32, #tpu.memory_space<vmem>>, vector<1x16xf32>,
      %get3A_282 = vector.shape_cast %get3A_281 : vector<1x16xf32> to vector<16xf32>
      %get3A_283 = arith.constant 2 : i32
      %get3A_284 = arith.index_cast %get3A_283 : i32 to index
      %get3A_285 = arith.index_cast %mul3A_10 : i32 to index
      %get3A_286 = tpu.vector_load %arg7[%get3A_284, %get3A_285] {strides = array<i32>} : memref<8x512xf32, #tpu.memory_space<vmem>>, vector<1x16xf32>,
      %get3A_287 = vector.shape_cast %get3A_286 : vector<1x16xf32> to vector<16xf32>
      %get3A_288 = arith.constant 3 : i32
      %get3A_289 = arith.index_cast %get3A_288 : i32 to index
      %get3A_290 = arith.index_cast %mul3A_10 : i32 to index
      %get3A_291 = tpu.vector_load %arg7[%get3A_289, %get3A_290] {strides = array<i32>} : memref<8x512xf32, #tpu.memory_space<vmem>>, vector<1x16xf32>,
      %get3A_292 = vector.shape_cast %get3A_291 : vector<1x16xf32> to vector<16xf32>
      %get3A_293 = arith.constant 4 : i32
      %get3A_294 = arith.index_cast %get3A_293 : i32 to index
      %get3A_295 = arith.index_cast %mul3A_10 : i32 to index
      %get3A_296 = tpu.vector_load %arg7[%get3A_294, %get3A_295] {strides = array<i32>} : memref<8x512xf32, #tpu.memory_space<vmem>>, vector<1x16xf32>,
      %get3A_297 = vector.shape_cast %get3A_296 : vector<1x16xf32> to vector<16xf32>
      %get3A_298 = arith.constant 5 : i32
      %get3A_299 = arith.index_cast %get3A_298 : i32 to index
      %get3A_300 = arith.index_cast %mul3A_10 : i32 to index
      %get3A_301 = tpu.vector_load %arg7[%get3A_299, %get3A_300] {strides = array<i32>} : memref<8x512xf32, #tpu.memory_space<vmem>>, vector<1x16xf32>,
      %get3A_302 = vector.shape_cast %get3A_301 : vector<1x16xf32> to vector<16xf32>
      %get3A_303 = arith.constant 6 : i32
      %get3A_304 = arith.index_cast %get3A_303 : i32 to index
      %get3A_305 = arith.index_cast %mul3A_10 : i32 to index
      %get3A_306 = tpu.vector_load %arg7[%get3A_304, %get3A_305] {strides = array<i32>} : memref<8x512xf32, #tpu.memory_space<vmem>>, vector<1x16xf32>,
      %get3A_307 = vector.shape_cast %get3A_306 : vector<1x16xf32> to vector<16xf32>
      %get3A_308 = arith.constant 7 : i32
      %get3A_309 = arith.index_cast %get3A_308 : i32 to index
      %get3A_310 = arith.index_cast %mul3A_10 : i32 to index
      %get3A_311 = tpu.vector_load %arg7[%get3A_309, %get3A_310] {strides = array<i32>} : memref<8x512xf32, #tpu.memory_space<vmem>>, vector<1x16xf32>,
      %get3A_312 = vector.shape_cast %get3A_311 : vector<1x16xf32> to vector<16xf32>
      %max3A_313 = arith.maximumf %get3A_277, %get3A_282 : vector<16xf32>
      %max3A_314 = arith.maximumf %max3A_313, %get3A_287 : vector<16xf32>
      %max3A_315 = arith.maximumf %max3A_314, %get3A_292 : vector<16xf32>
      %max3A_316 = arith.maximumf %max3A_315, %get3A_297 : vector<16xf32>
      %max3A_317 = arith.maximumf %max3A_316, %get3A_302 : vector<16xf32>
      %max3A_318 = arith.maximumf %max3A_317, %get3A_307 : vector<16xf32>
      %max3A_319 = arith.maximumf %max3A_318, %get3A_312 : vector<16xf32>
      %sub3A_320 = arith.subf %get3A_277, %max3A_319 : vector<16xf32>
      %exp3A_321 = math.exp %sub3A_320 : vector<16xf32>
      %sub3A_322 = arith.subf %get3A_282, %max3A_319 : vector<16xf32>
      %exp3A_323 = math.exp %sub3A_322 : vector<16xf32>
      %sub3A_324 = arith.subf %get3A_287, %max3A_319 : vector<16xf32>
      %exp3A_325 = math.exp %sub3A_324 : vector<16xf32>
      %sub3A_326 = arith.subf %get3A_292, %max3A_319 : vector<16xf32>
      %exp3A_327 = math.exp %sub3A_326 : vector<16xf32>
      %sub3A_328 = arith.subf %get3A_297, %max3A_319 : vector<16xf32>
      %exp3A_329 = math.exp %sub3A_328 : vector<16xf32>
      %sub3A_330 = arith.subf %get3A_302, %max3A_319 : vector<16xf32>
      %exp3A_331 = math.exp %sub3A_330 : vector<16xf32>
      %sub3A_332 = arith.subf %get3A_307, %max3A_319 : vector<16xf32>
      %exp3A_333 = math.exp %sub3A_332 : vector<16xf32>
      %sub3A_334 = arith.subf %get3A_312, %max3A_319 : vector<16xf32>
      %exp3A_335 = math.exp %sub3A_334 : vector<16xf32>
      %add3A_336 = arith.addf %exp3A_321, %exp3A_323 : vector<16xf32>
      %add3A_337 = arith.addf %add3A_336, %exp3A_325 : vector<16xf32>
      %add3A_338 = arith.addf %add3A_337, %exp3A_327 : vector<16xf32>
      %add3A_339 = arith.addf %add3A_338, %exp3A_329 : vector<16xf32>
      %add3A_340 = arith.addf %add3A_339, %exp3A_331 : vector<16xf32>
      %add3A_341 = arith.addf %add3A_340, %exp3A_333 : vector<16xf32>
      %add3A_342 = arith.addf %add3A_341, %exp3A_335 : vector<16xf32>
      %div3A_343 = arith.constant 1.000000e+00 : f32
      %div3A_344 = vector.broadcast %div3A_343 : f32 to vector<16xf32>
      %div3A_345 = arith.divf %div3A_344, %add3A_342 : vector<16xf32>
      %eq3A_346 = arith.cmpf oeq, %get3A_277, %max3A_319 : vector<16xf32>
      %jit3A_347 = arith.constant 1.000000e+00 : f32
      %jit3A_348 = arith.constant 0.000000e+00 : f32
      %broadcast_in_dim3A_349 = vector.broadcast %jit3A_347 : f32 to vector<16xf32>
      %broadcast_in_dim3A_350 = vector.broadcast %jit3A_348 : f32 to vector<16xf32>
      %select_n3A_351 = arith.select %eq3A_346, %broadcast_in_dim3A_349, %broadcast_in_dim3A_350 : vector<16xi1>, vector<16xf32>
      %sub3A_352 = arith.constant 1.000000e+00 : f32
      %sub3A_353 = vector.broadcast %sub3A_352 : f32 to vector<16xf32>
      %sub3A_354 = arith.subf %sub3A_353, %select_n3A_351 : vector<16xf32>
      %eq3A_355 = arith.cmpf oeq, %get3A_282, %max3A_319 : vector<16xf32>
      %jit3A_356 = arith.constant 0.000000e+00 : f32
      %broadcast_in_dim3A_357 = vector.broadcast %jit3A_356 : f32 to vector<16xf32>
      %select_n3A_358 = arith.select %eq3A_355, %sub3A_354, %broadcast_in_dim3A_357 : vector<16xi1>, vector<16xf32>
      %sub3A_359 = arith.subf %sub3A_354, %select_n3A_358 : vector<16xf32>
      %eq3A_360 = arith.cmpf oeq, %get3A_287, %max3A_319 : vector<16xf32>
      %jit3A_361 = arith.constant 0.000000e+00 : f32
      %broadcast_in_dim3A_362 = vector.broadcast %jit3A_361 : f32 to vector<16xf32>
      %select_n3A_363 = arith.select %eq3A_360, %sub3A_359, %broadcast_in_dim3A_362 : vector<16xi1>, vector<16xf32>
      %sub3A_364 = arith.subf %sub3A_359, %select_n3A_363 : vector<16xf32>
      %eq3A_365 = arith.cmpf oeq, %get3A_292, %max3A_319 : vector<16xf32>
      %jit3A_366 = arith.constant 0.000000e+00 : f32
      %broadcast_in_dim3A_367 = vector.broadcast %jit3A_366 : f32 to vector<16xf32>
      %select_n3A_368 = arith.select %eq3A_365, %sub3A_364, %broadcast_in_dim3A_367 : vector<16xi1>, vector<16xf32>
      %sub3A_369 = arith.subf %sub3A_364, %select_n3A_368 : vector<16xf32>
      %eq3A_370 = arith.cmpf oeq, %get3A_297, %max3A_319 : vector<16xf32>
      %jit3A_371 = arith.constant 0.000000e+00 : f32
      %broadcast_in_dim3A_372 = vector.broadcast %jit3A_371 : f32 to vector<16xf32>
      %select_n3A_373 = arith.select %eq3A_370, %sub3A_369, %broadcast_in_dim3A_372 : vector<16xi1>, vector<16xf32>
      %sub3A_374 = arith.subf %sub3A_369, %select_n3A_373 : vector<16xf32>
      %eq3A_375 = arith.cmpf oeq, %get3A_302, %max3A_319 : vector<16xf32>
      %jit3A_376 = arith.constant 0.000000e+00 : f32
      %broadcast_in_dim3A_377 = vector.broadcast %jit3A_376 : f32 to vector<16xf32>
      %select_n3A_378 = arith.select %eq3A_375, %sub3A_374, %broadcast_in_dim3A_377 : vector<16xi1>, vector<16xf32>
      %sub3A_379 = arith.subf %sub3A_374, %select_n3A_378 : vector<16xf32>
      %eq3A_380 = arith.cmpf oeq, %get3A_307, %max3A_319 : vector<16xf32>
      %jit3A_381 = arith.constant 0.000000e+00 : f32
      %broadcast_in_dim3A_382 = vector.broadcast %jit3A_381 : f32 to vector<16xf32>
      %select_n3A_383 = arith.select %eq3A_380, %sub3A_379, %broadcast_in_dim3A_382 : vector<16xi1>, vector<16xf32>
      %sub3A_384 = arith.subf %sub3A_379, %select_n3A_383 : vector<16xf32>
      %eq3A_385 = arith.cmpf oeq, %get3A_312, %max3A_319 : vector<16xf32>
      %jit3A_386 = arith.constant 0.000000e+00 : f32
      %broadcast_in_dim3A_387 = vector.broadcast %jit3A_386 : f32 to vector<16xf32>
      %select_n3A_388 = arith.select %eq3A_385, %sub3A_384, %broadcast_in_dim3A_387 : vector<16xi1>, vector<16xf32>
      %sub3A_389 = arith.subf %sub3A_384, %select_n3A_388 : vector<16xf32>
      %mul3A_390 = arith.constant 3.000000e+38 : f32
      %mul3A_391 = vector.broadcast %mul3A_390 : f32 to vector<16xf32>
      %mul3A_392 = arith.mulf %select_n3A_351, %mul3A_391 : vector<16xf32>
      %sub3A_393 = arith.subf %get3A_277, %mul3A_392 : vector<16xf32>
      %mul3A_394 = arith.constant 3.000000e+38 : f32
      %mul3A_395 = vector.broadcast %mul3A_394 : f32 to vector<16xf32>
      %mul3A_396 = arith.mulf %select_n3A_358, %mul3A_395 : vector<16xf32>
      %sub3A_397 = arith.subf %get3A_282, %mul3A_396 : vector<16xf32>
      %mul3A_398 = arith.constant 3.000000e+38 : f32
      %mul3A_399 = vector.broadcast %mul3A_398 : f32 to vector<16xf32>
      %mul3A_400 = arith.mulf %select_n3A_363, %mul3A_399 : vector<16xf32>
      %sub3A_401 = arith.subf %get3A_287, %mul3A_400 : vector<16xf32>
      %mul3A_402 = arith.constant 3.000000e+38 : f32
      %mul3A_403 = vector.broadcast %mul3A_402 : f32 to vector<16xf32>
      %mul3A_404 = arith.mulf %select_n3A_368, %mul3A_403 : vector<16xf32>
      %sub3A_405 = arith.subf %get3A_292, %mul3A_404 : vector<16xf32>
      %mul3A_406 = arith.constant 3.000000e+38 : f32
      %mul3A_407 = vector.broadcast %mul3A_406 : f32 to vector<16xf32>
      %mul3A_408 = arith.mulf %select_n3A_373, %mul3A_407 : vector<16xf32>
      %sub3A_409 = arith.subf %get3A_297, %mul3A_408 : vector<16xf32>
      %mul3A_410 = arith.constant 3.000000e+38 : f32
      %mul3A_411 = vector.broadcast %mul3A_410 : f32 to vector<16xf32>
      %mul3A_412 = arith.mulf %select_n3A_378, %mul3A_411 : vector<16xf32>
      %sub3A_413 = arith.subf %get3A_302, %mul3A_412 : vector<16xf32>
      %mul3A_414 = arith.constant 3.000000e+38 : f32
      %mul3A_415 = vector.broadcast %mul3A_414 : f32 to vector<16xf32>
      %mul3A_416 = arith.mulf %select_n3A_383, %mul3A_415 : vector<16xf32>
      %sub3A_417 = arith.subf %get3A_307, %mul3A_416 : vector<16xf32>
      %mul3A_418 = arith.constant 3.000000e+38 : f32
      %mul3A_419 = vector.broadcast %mul3A_418 : f32 to vector<16xf32>
      %mul3A_420 = arith.mulf %select_n3A_388, %mul3A_419 : vector<16xf32>
      %sub3A_421 = arith.subf %get3A_312, %mul3A_420 : vector<16xf32>
      %max3A_422 = arith.maximumf %sub3A_393, %sub3A_397 : vector<16xf32>
      %max3A_423 = arith.maximumf %max3A_422, %sub3A_401 : vector<16xf32>
      %max3A_424 = arith.maximumf %max3A_423, %sub3A_405 : vector<16xf32>
      %max3A_425 = arith.maximumf %max3A_424, %sub3A_409 : vector<16xf32>
      %max3A_426 = arith.maximumf %max3A_425, %sub3A_413 : vector<16xf32>
      %max3A_427 = arith.maximumf %max3A_426, %sub3A_417 : vector<16xf32>
      %max3A_428 = arith.maximumf %max3A_427, %sub3A_421 : vector<16xf32>
      %eq3A_429 = arith.cmpf oeq, %sub3A_393, %max3A_428 : vector<16xf32>
      %jit3A_430 = arith.constant 1.000000e+00 : f32
      %jit3A_431 = arith.constant 0.000000e+00 : f32
      %broadcast_in_dim3A_432 = vector.broadcast %jit3A_430 : f32 to vector<16xf32>
      %broadcast_in_dim3A_433 = vector.broadcast %jit3A_431 : f32 to vector<16xf32>
      %select_n3A_434 = arith.select %eq3A_429, %broadcast_in_dim3A_432, %broadcast_in_dim3A_433 : vector<16xi1>, vector<16xf32>
      %sub3A_435 = arith.constant 1.000000e+00 : f32
      %sub3A_436 = vector.broadcast %sub3A_435 : f32 to vector<16xf32>
      %sub3A_437 = arith.subf %sub3A_436, %select_n3A_434 : vector<16xf32>
      %eq3A_438 = arith.cmpf oeq, %sub3A_397, %max3A_428 : vector<16xf32>
      %jit3A_439 = arith.constant 0.000000e+00 : f32
      %broadcast_in_dim3A_440 = vector.broadcast %jit3A_439 : f32 to vector<16xf32>
      %select_n3A_441 = arith.select %eq3A_438, %sub3A_437, %broadcast_in_dim3A_440 : vector<16xi1>, vector<16xf32>
      %sub3A_442 = arith.subf %sub3A_437, %select_n3A_441 : vector<16xf32>
      %eq3A_443 = arith.cmpf oeq, %sub3A_401, %max3A_428 : vector<16xf32>
      %jit3A_444 = arith.constant 0.000000e+00 : f32
      %broadcast_in_dim3A_445 = vector.broadcast %jit3A_444 : f32 to vector<16xf32>
      %select_n3A_446 = arith.select %eq3A_443, %sub3A_442, %broadcast_in_dim3A_445 : vector<16xi1>, vector<16xf32>
      %sub3A_447 = arith.subf %sub3A_442, %select_n3A_446 : vector<16xf32>
      %eq3A_448 = arith.cmpf oeq, %sub3A_405, %max3A_428 : vector<16xf32>
      %jit3A_449 = arith.constant 0.000000e+00 : f32
      %broadcast_in_dim3A_450 = vector.broadcast %jit3A_449 : f32 to vector<16xf32>
      %select_n3A_451 = arith.select %eq3A_448, %sub3A_447, %broadcast_in_dim3A_450 : vector<16xi1>, vector<16xf32>
      %sub3A_452 = arith.subf %sub3A_447, %select_n3A_451 : vector<16xf32>
      %eq3A_453 = arith.cmpf oeq, %sub3A_409, %max3A_428 : vector<16xf32>
      %jit3A_454 = arith.constant 0.000000e+00 : f32
      %broadcast_in_dim3A_455 = vector.broadcast %jit3A_454 : f32 to vector<16xf32>
      %select_n3A_456 = arith.select %eq3A_453, %sub3A_452, %broadcast_in_dim3A_455 : vector<16xi1>, vector<16xf32>
      %sub3A_457 = arith.subf %sub3A_452, %select_n3A_456 : vector<16xf32>
      %eq3A_458 = arith.cmpf oeq, %sub3A_413, %max3A_428 : vector<16xf32>
      %jit3A_459 = arith.constant 0.000000e+00 : f32
      %broadcast_in_dim3A_460 = vector.broadcast %jit3A_459 : f32 to vector<16xf32>
      %select_n3A_461 = arith.select %eq3A_458, %sub3A_457, %broadcast_in_dim3A_460 : vector<16xi1>, vector<16xf32>
      %sub3A_462 = arith.subf %sub3A_457, %select_n3A_461 : vector<16xf32>
      %eq3A_463 = arith.cmpf oeq, %sub3A_417, %max3A_428 : vector<16xf32>
      %jit3A_464 = arith.constant 0.000000e+00 : f32
      %broadcast_in_dim3A_465 = vector.broadcast %jit3A_464 : f32 to vector<16xf32>
      %select_n3A_466 = arith.select %eq3A_463, %sub3A_462, %broadcast_in_dim3A_465 : vector<16xi1>, vector<16xf32>
      %sub3A_467 = arith.subf %sub3A_462, %select_n3A_466 : vector<16xf32>
      %eq3A_468 = arith.cmpf oeq, %sub3A_421, %max3A_428 : vector<16xf32>
      %jit3A_469 = arith.constant 0.000000e+00 : f32
      %broadcast_in_dim3A_470 = vector.broadcast %jit3A_469 : f32 to vector<16xf32>
      %select_n3A_471 = arith.select %eq3A_468, %sub3A_467, %broadcast_in_dim3A_470 : vector<16xi1>, vector<16xf32>
      %sub3A_472 = arith.subf %sub3A_467, %select_n3A_471 : vector<16xf32>
      %add3A_473 = arith.addf %select_n3A_351, %select_n3A_434 : vector<16xf32>
      %mul3A_474 = arith.mulf %exp3A_321, %div3A_345 : vector<16xf32>
      %mul3A_475 = arith.mulf %add3A_473, %mul3A_474 : vector<16xf32>
      %swap3A_476 = arith.constant 0 : i32
      %swap3A_477 = arith.index_cast %swap3A_476 : i32 to index
      %swap3A_478 = arith.index_cast %mul3A_10 : i32 to index
      %swap3A_479 = tpu.vector_load %arg9[%swap3A_477, %swap3A_478] {strides = array<i32>} : memref<8x512xf32, #tpu.memory_space<vmem>>, vector<1x16xf32>,
      %swap3A_480 = vector.shape_cast %swap3A_479 : vector<1x16xf32> to vector<16xf32>
      %swap3A_481 = vector.shape_cast %mul3A_475 : vector<16xf32> to vector<1x16xf32>
      tpu.vector_store %arg9[%swap3A_477, %swap3A_478], %swap3A_481 {strides = array<i32>} : memref<8x512xf32, #tpu.memory_space<vmem>>, vector<1x16xf32>,
      %add3A_482 = arith.addf %select_n3A_358, %select_n3A_441 : vector<16xf32>
      %mul3A_483 = arith.mulf %exp3A_323, %div3A_345 : vector<16xf32>
      %mul3A_484 = arith.mulf %add3A_482, %mul3A_483 : vector<16xf32>
      %swap3A_485 = arith.constant 1 : i32
      %swap3A_486 = arith.index_cast %swap3A_485 : i32 to index
      %swap3A_487 = arith.index_cast %mul3A_10 : i32 to index
      %swap3A_488 = tpu.vector_load %arg9[%swap3A_486, %swap3A_487] {strides = array<i32>} : memref<8x512xf32, #tpu.memory_space<vmem>>, vector<1x16xf32>,
      %swap3A_489 = vector.shape_cast %swap3A_488 : vector<1x16xf32> to vector<16xf32>
      %swap3A_490 = vector.shape_cast %mul3A_484 : vector<16xf32> to vector<1x16xf32>
      tpu.vector_store %arg9[%swap3A_486, %swap3A_487], %swap3A_490 {strides = array<i32>} : memref<8x512xf32, #tpu.memory_space<vmem>>, vector<1x16xf32>,
      %add3A_491 = arith.addf %select_n3A_363, %select_n3A_446 : vector<16xf32>
      %mul3A_492 = arith.mulf %exp3A_325, %div3A_345 : vector<16xf32>
      %mul3A_493 = arith.mulf %add3A_491, %mul3A_492 : vector<16xf32>
      %swap3A_494 = arith.constant 2 : i32
      %swap3A_495 = arith.index_cast %swap3A_494 : i32 to index
      %swap3A_496 = arith.index_cast %mul3A_10 : i32 to index
      %swap3A_497 = tpu.vector_load %arg9[%swap3A_495, %swap3A_496] {strides = array<i32>} : memref<8x512xf32, #tpu.memory_space<vmem>>, vector<1x16xf32>,
      %swap3A_498 = vector.shape_cast %swap3A_497 : vector<1x16xf32> to vector<16xf32>
      %swap3A_499 = vector.shape_cast %mul3A_493 : vector<16xf32> to vector<1x16xf32>
      tpu.vector_store %arg9[%swap3A_495, %swap3A_496], %swap3A_499 {strides = array<i32>} : memref<8x512xf32, #tpu.memory_space<vmem>>, vector<1x16xf32>,
      %add3A_500 = arith.addf %select_n3A_368, %select_n3A_451 : vector<16xf32>
      %mul3A_501 = arith.mulf %exp3A_327, %div3A_345 : vector<16xf32>
      %mul3A_502 = arith.mulf %add3A_500, %mul3A_501 : vector<16xf32>
      %swap3A_503 = arith.constant 3 : i32
      %swap3A_504 = arith.index_cast %swap3A_503 : i32 to index
      %swap3A_505 = arith.index_cast %mul3A_10 : i32 to index
      %swap3A_506 = tpu.vector_load %arg9[%swap3A_504, %swap3A_505] {strides = array<i32>} : memref<8x512xf32, #tpu.memory_space<vmem>>, vector<1x16xf32>,
      %swap3A_507 = vector.shape_cast %swap3A_506 : vector<1x16xf32> to vector<16xf32>
      %swap3A_508 = vector.shape_cast %mul3A_502 : vector<16xf32> to vector<1x16xf32>
      tpu.vector_store %arg9[%swap3A_504, %swap3A_505], %swap3A_508 {strides = array<i32>} : memref<8x512xf32, #tpu.memory_space<vmem>>, vector<1x16xf32>,
      %add3A_509 = arith.addf %select_n3A_373, %select_n3A_456 : vector<16xf32>
      %mul3A_510 = arith.mulf %exp3A_329, %div3A_345 : vector<16xf32>
      %mul3A_511 = arith.mulf %add3A_509, %mul3A_510 : vector<16xf32>
      %swap3A_512 = arith.constant 4 : i32
      %swap3A_513 = arith.index_cast %swap3A_512 : i32 to index
      %swap3A_514 = arith.index_cast %mul3A_10 : i32 to index
      %swap3A_515 = tpu.vector_load %arg9[%swap3A_513, %swap3A_514] {strides = array<i32>} : memref<8x512xf32, #tpu.memory_space<vmem>>, vector<1x16xf32>,
      %swap3A_516 = vector.shape_cast %swap3A_515 : vector<1x16xf32> to vector<16xf32>
      %swap3A_517 = vector.shape_cast %mul3A_511 : vector<16xf32> to vector<1x16xf32>
      tpu.vector_store %arg9[%swap3A_513, %swap3A_514], %swap3A_517 {strides = array<i32>} : memref<8x512xf32, #tpu.memory_space<vmem>>, vector<1x16xf32>,
      %add3A_518 = arith.addf %select_n3A_378, %select_n3A_461 : vector<16xf32>
      %mul3A_519 = arith.mulf %exp3A_331, %div3A_345 : vector<16xf32>
      %mul3A_520 = arith.mulf %add3A_518, %mul3A_519 : vector<16xf32>
      %swap3A_521 = arith.constant 5 : i32
      %swap3A_522 = arith.index_cast %swap3A_521 : i32 to index
      %swap3A_523 = arith.index_cast %mul3A_10 : i32 to index
      %swap3A_524 = tpu.vector_load %arg9[%swap3A_522, %swap3A_523] {strides = array<i32>} : memref<8x512xf32, #tpu.memory_space<vmem>>, vector<1x16xf32>,
      %swap3A_525 = vector.shape_cast %swap3A_524 : vector<1x16xf32> to vector<16xf32>
      %swap3A_526 = vector.shape_cast %mul3A_520 : vector<16xf32> to vector<1x16xf32>
      tpu.vector_store %arg9[%swap3A_522, %swap3A_523], %swap3A_526 {strides = array<i32>} : memref<8x512xf32, #tpu.memory_space<vmem>>, vector<1x16xf32>,
      %add3A_527 = arith.addf %select_n3A_383, %select_n3A_466 : vector<16xf32>
      %mul3A_528 = arith.mulf %exp3A_333, %div3A_345 : vector<16xf32>
      %mul3A_529 = arith.mulf %add3A_527, %mul3A_528 : vector<16xf32>
      %swap3A_530 = arith.constant 6 : i32
      %swap3A_531 = arith.index_cast %swap3A_530 : i32 to index
      %swap3A_532 = arith.index_cast %mul3A_10 : i32 to index
      %swap3A_533 = tpu.vector_load %arg9[%swap3A_531, %swap3A_532] {strides = array<i32>} : memref<8x512xf32, #tpu.memory_space<vmem>>, vector<1x16xf32>,
      %swap3A_534 = vector.shape_cast %swap3A_533 : vector<1x16xf32> to vector<16xf32>
      %swap3A_535 = vector.shape_cast %mul3A_529 : vector<16xf32> to vector<1x16xf32>
      tpu.vector_store %arg9[%swap3A_531, %swap3A_532], %swap3A_535 {strides = array<i32>} : memref<8x512xf32, #tpu.memory_space<vmem>>, vector<1x16xf32>,
      %add3A_536 = arith.addf %select_n3A_388, %select_n3A_471 : vector<16xf32>
      %mul3A_537 = arith.mulf %exp3A_335, %div3A_345 : vector<16xf32>
      %mul3A_538 = arith.mulf %add3A_536, %mul3A_537 : vector<16xf32>
      %swap3A_539 = arith.constant 7 : i32
      %swap3A_540 = arith.index_cast %swap3A_539 : i32 to index
      %swap3A_541 = arith.index_cast %mul3A_10 : i32 to index
      %swap3A_542 = tpu.vector_load %arg9[%swap3A_540, %swap3A_541] {strides = array<i32>} : memref<8x512xf32, #tpu.memory_space<vmem>>, vector<1x16xf32>,
      %swap3A_543 = vector.shape_cast %swap3A_542 : vector<1x16xf32> to vector<16xf32>
      %swap3A_544 = vector.shape_cast %mul3A_538 : vector<16xf32> to vector<1x16xf32>
      tpu.vector_store %arg9[%swap3A_540, %swap3A_541], %swap3A_544 {strides = array<i32>} : memref<8x512xf32, #tpu.memory_space<vmem>>, vector<1x16xf32>,
    }
    %scan3A_7 = arith.constant 32 : i32
    "tpu.region"() ({
      %run_scoped3A = tpu.sem_alloc : memref<!tpu.dma_semaphore, #tpu.memory_space<semaphore_mem>>
      %dma_start3A = arith.constant 0 : i32
      %dma_start3A_8 = tpu.memref_slice %arg4[%dma_start3A, %mul3A_2] : memref<8x16384xf32, #tpu.memory_space<hbm>> -> memref<8x512xf32, #tpu.memory_space<hbm>>
      %dma_start3A_9 = arith.constant 0 : i32
      %dma_start3A_10 = tpu.memref_slice %arg4[%dma_start3A_9, %mul3A_2] : memref<8x16384xf32, #tpu.memory_space<hbm>> -> memref<8x512xf32, #tpu.memory_space<hbm>>
      tpu.enqueue_dma source(%arg8 : memref<8x512xf32, #tpu.memory_space<vmem>>) target(%dma_start3A_10 : memref<8x512xf32, #tpu.memory_space<hbm>>) target_semaphore(%run_scoped3A : memref<!tpu.dma_semaphore, #tpu.memory_space<semaphore_mem>>)
      %dma_wait3A = arith.constant 0 : i32
      %dma_wait3A_11 = tpu.memref_slice %arg4[%dma_wait3A, %mul3A_2] : memref<8x16384xf32, #tpu.memory_space<hbm>> -> memref<8x512xf32, #tpu.memory_space<hbm>>
      %dma_wait3A_12 = arith.constant 0 : i32
      %dma_wait3A_13 = tpu.memref_slice %arg4[%dma_wait3A_12, %mul3A_2] : memref<8x16384xf32, #tpu.memory_space<hbm>> -> memref<8x512xf32, #tpu.memory_space<hbm>>
      tpu.wait_dma2 semaphore(%run_scoped3A : memref<!tpu.dma_semaphore, #tpu.memory_space<semaphore_mem>>) src(%arg8 : memref<8x512xf32, #tpu.memory_space<vmem>>) dst(%dma_wait3A_13 : memref<8x512xf32, #tpu.memory_space<hbm>>)
      tpu.yield
    }) : () -> ()
    "tpu.region"() ({
      %run_scoped3A = tpu.sem_alloc : memref<!tpu.dma_semaphore, #tpu.memory_space<semaphore_mem>>
      %dma_start3A = arith.constant 0 : i32
      %dma_start3A_8 = tpu.memref_slice %arg5[%dma_start3A, %mul3A_2] : memref<8x16384xf32, #tpu.memory_space<hbm>> -> memref<8x512xf32, #tpu.memory_space<hbm>>
      %dma_start3A_9 = arith.constant 0 : i32
      %dma_start3A_10 = tpu.memref_slice %arg5[%dma_start3A_9, %mul3A_2] : memref<8x16384xf32, #tpu.memory_space<hbm>> -> memref<8x512xf32, #tpu.memory_space<hbm>>
      tpu.enqueue_dma source(%arg9 : memref<8x512xf32, #tpu.memory_space<vmem>>) target(%dma_start3A_10 : memref<8x512xf32, #tpu.memory_space<hbm>>) target_semaphore(%run_scoped3A : memref<!tpu.dma_semaphore, #tpu.memory_space<semaphore_mem>>)
      %dma_wait3A = arith.constant 0 : i32
      %dma_wait3A_11 = tpu.memref_slice %arg5[%dma_wait3A, %mul3A_2] : memref<8x16384xf32, #tpu.memory_space<hbm>> -> memref<8x512xf32, #tpu.memory_space<hbm>>
      %dma_wait3A_12 = arith.constant 0 : i32
      %dma_wait3A_13 = tpu.memref_slice %arg5[%dma_wait3A_12, %mul3A_2] : memref<8x16384xf32, #tpu.memory_space<hbm>> -> memref<8x512xf32, #tpu.memory_space<hbm>>
      tpu.wait_dma2 semaphore(%run_scoped3A : memref<!tpu.dma_semaphore, #tpu.memory_space<semaphore_mem>>) src(%arg9 : memref<8x512xf32, #tpu.memory_space<vmem>>) dst(%dma_wait3A_13 : memref<8x512xf32, #tpu.memory_space<hbm>>)
      tpu.yield
    }) : () -> ()
    return
  }
}

module attributes {stable_mosaic.version = 14 : i64} {
  func.func @_stage_a(%arg0: i32, %arg1: memref<1024x1024xf32, #tpu.memory_space<vmem>>, %arg2: memref<1024x256xf32, #tpu.memory_space<vmem>>, %arg3: memref<1x256xf32, #tpu.memory_space<vmem>>, %arg4: memref<1x256xf32, #tpu.memory_space<vmem>>, %arg5: memref<1x256xf32, #tpu.memory_space<vmem>>, %arg6: memref<256x8xf32, #tpu.memory_space<vmem>>, %arg7: memref<1x8xf32, #tpu.memory_space<vmem>>, %arg8: memref<1024x256xbf16, #tpu.memory_space<vmem>>, %arg9: memref<8x1024xf32, #tpu.memory_space<vmem>>, %arg10: memref<8x1024xf32, #tpu.memory_space<vmem>>) attributes {dimension_semantics = [#tpu.dimension_semantics<arbitrary>], iteration_bounds = array<i64: 16>, scalar_prefetch = 0 : i64, scratch_operands = 0 : i64, tpu.core_type = #tpu.core_type<tc>, window_params = [{transform_indices = @transform_0, window_bounds = array<i64: 1024, 1024>}, {pipeline_mode = #tpu.pipeline_mode<synchronous>, transform_indices = @transform_1, window_bounds = array<i64: 1024, 256>}, {pipeline_mode = #tpu.pipeline_mode<synchronous>, transform_indices = @transform_2, window_bounds = array<i64: 1, 256>}, {pipeline_mode = #tpu.pipeline_mode<synchronous>, transform_indices = @transform_3, window_bounds = array<i64: 1, 256>}, {pipeline_mode = #tpu.pipeline_mode<synchronous>, transform_indices = @transform_4, window_bounds = array<i64: 1, 256>}, {pipeline_mode = #tpu.pipeline_mode<synchronous>, transform_indices = @transform_5, window_bounds = array<i64: 256, 8>}, {pipeline_mode = #tpu.pipeline_mode<synchronous>, transform_indices = @transform_6, window_bounds = array<i64: 1, 8>}, {transform_indices = @transform_7, window_bounds = array<i64: 1024, 256>}, {transform_indices = @transform_8, window_bounds = array<i64: 8, 1024>}, {transform_indices = @transform_9, window_bounds = array<i64: 8, 1024>}]} {
    %get3A = arith.constant 0 : index
    %get3A_0 = arith.constant 0 : index
    %get3A_1 = vector.load %arg1[%get3A, %get3A_0] : memref<1024x1024xf32, #tpu.memory_space<vmem>>, vector<1024x1024xf32>
    %get3A_2 = arith.constant 0 : index
    %get3A_3 = arith.constant 0 : index
    %get3A_4 = vector.load %arg2[%get3A_2, %get3A_3] : memref<1024x256xf32, #tpu.memory_space<vmem>>, vector<1024x256xf32>
    %dot_general3A = arith.constant dense<0.000000e+00> : vector<1024x256xf32>
    %dot_general3A_5 = tpu.matmul %get3A_1, %get3A_4, %dot_general3A {dimension_numbers = #tpu.dot_dimension_numbers<[1], [0], [0], [1], [0, 0, 1, 1], [], []>, transpose_lhs_hint = false} : vector<1024x1024xf32>, vector<1024x256xf32>, vector<1024x256xf32> -> vector<1024x256xf32>
    %get3A_6 = arith.constant 0 : index
    %get3A_7 = arith.constant 0 : index
    %get3A_8 = vector.load %arg3[%get3A_6, %get3A_7] : memref<1x256xf32, #tpu.memory_space<vmem>>, vector<1x256xf32>
    %add3A = vector.broadcast %get3A_8 : vector<1x256xf32> to vector<1024x256xf32>
    %add3A_9 = arith.addf %dot_general3A_5, %add3A : vector<1024x256xf32>
    %mul3A = arith.constant 5.000000e-01 : f32
    %mul3A_10 = vector.broadcast %mul3A : f32 to vector<1024x256xf32>
    %mul3A_11 = arith.mulf %mul3A_10, %add3A_9 : vector<1024x256xf32>
    %mul3A_12 = arith.constant 0.707106769 : f32
    %mul3A_13 = vector.broadcast %mul3A_12 : f32 to vector<1024x256xf32>
    %mul3A_14 = arith.mulf %add3A_9, %mul3A_13 : vector<1024x256xf32>
    %erf3A = math.erf %mul3A_14 : vector<1024x256xf32>
    %add3A_15 = arith.constant 1.000000e+00 : f32
    %add3A_16 = vector.broadcast %add3A_15 : f32 to vector<1024x256xf32>
    %add3A_17 = arith.addf %add3A_16, %erf3A : vector<1024x256xf32>
    %mul3A_18 = arith.mulf %mul3A_11, %add3A_17 : vector<1024x256xf32>
    %convert_element_type3A = arith.truncf %mul3A_18 : vector<1024x256xf32> to vector<1024x256xbf16>
    %swap3A = arith.constant 0 : index
    %swap3A_19 = arith.constant 0 : index
    %swap3A_20 = vector.load %arg8[%swap3A, %swap3A_19] : memref<1024x256xbf16, #tpu.memory_space<vmem>>, vector<1024x256xbf16>
    tpu.vector_store %arg8[%swap3A, %swap3A_19], %convert_element_type3A {strides = array<i32>} : memref<1024x256xbf16, #tpu.memory_space<vmem>>, vector<1024x256xbf16>,
    %get3A_21 = arith.constant 0 : index
    %get3A_22 = arith.constant 0 : index
    %get3A_23 = vector.load %arg4[%get3A_21, %get3A_22] : memref<1x256xf32, #tpu.memory_space<vmem>>, vector<1x256xf32>
    %add3A_24 = vector.broadcast %get3A_23 : vector<1x256xf32> to vector<1024x256xf32>
    %add3A_25 = arith.addf %mul3A_18, %add3A_24 : vector<1024x256xf32>
    %get3A_26 = arith.constant 0 : index
    %get3A_27 = arith.constant 0 : index
    %get3A_28 = vector.load %arg6[%get3A_26, %get3A_27] : memref<256x8xf32, #tpu.memory_space<vmem>>, vector<256x8xf32>
    %dot_general3A_29 = arith.constant dense<0.000000e+00> : vector<1024x8xf32>
    %dot_general3A_30 = tpu.matmul %add3A_25, %get3A_28, %dot_general3A_29 {dimension_numbers = #tpu.dot_dimension_numbers<[1], [0], [0], [1], [0, 0, 1, 1], [], []>, transpose_lhs_hint = false} : vector<1024x256xf32>, vector<256x8xf32>, vector<1024x8xf32> -> vector<1024x8xf32>
    %get3A_31 = arith.constant 0 : index
    %get3A_32 = arith.constant 0 : index
    %get3A_33 = vector.load %arg7[%get3A_31, %get3A_32] : memref<1x8xf32, #tpu.memory_space<vmem>>, vector<1x8xf32>
    %add3A_34 = vector.broadcast %get3A_33 : vector<1x8xf32> to vector<1024x8xf32>
    %add3A_35 = arith.addf %dot_general3A_30, %add3A_34 : vector<1024x8xf32>
    %get3A_36 = arith.constant 0 : index
    %get3A_37 = arith.constant 0 : index
    %get3A_38 = vector.load %arg5[%get3A_36, %get3A_37] : memref<1x256xf32, #tpu.memory_space<vmem>>, vector<1x256xf32>
    %add3A_39 = vector.broadcast %get3A_38 : vector<1x256xf32> to vector<1024x256xf32>
    %add3A_40 = arith.addf %mul3A_18, %add3A_39 : vector<1024x256xf32>
    %get3A_41 = arith.constant 0 : index
    %get3A_42 = arith.constant 0 : index
    %get3A_43 = vector.load %arg6[%get3A_41, %get3A_42] : memref<256x8xf32, #tpu.memory_space<vmem>>, vector<256x8xf32>
    %dot_general3A_44 = arith.constant dense<0.000000e+00> : vector<1024x8xf32>
    %dot_general3A_45 = tpu.matmul %add3A_40, %get3A_43, %dot_general3A_44 {dimension_numbers = #tpu.dot_dimension_numbers<[1], [0], [0], [1], [0, 0, 1, 1], [], []>, transpose_lhs_hint = false} : vector<1024x256xf32>, vector<256x8xf32>, vector<1024x8xf32> -> vector<1024x8xf32>
    %get3A_46 = arith.constant 0 : index
    %get3A_47 = arith.constant 0 : index
    %get3A_48 = vector.load %arg7[%get3A_46, %get3A_47] : memref<1x8xf32, #tpu.memory_space<vmem>>, vector<1x8xf32>
    %add3A_49 = vector.broadcast %get3A_48 : vector<1x8xf32> to vector<1024x8xf32>
    %add3A_50 = arith.addf %dot_general3A_45, %add3A_49 : vector<1024x8xf32>
    %transpose3A = tpu.transpose %add3A_35, [1, 0] : vector<1024x8xf32> -> vector<8x1024xf32>
    %swap3A_51 = arith.constant 0 : index
    %swap3A_52 = arith.constant 0 : index
    %swap3A_53 = vector.load %arg9[%swap3A_51, %swap3A_52] : memref<8x1024xf32, #tpu.memory_space<vmem>>, vector<8x1024xf32>
    tpu.vector_store %arg9[%swap3A_51, %swap3A_52], %transpose3A {strides = array<i32>} : memref<8x1024xf32, #tpu.memory_space<vmem>>, vector<8x1024xf32>,
    %transpose3A_54 = tpu.transpose %add3A_50, [1, 0] : vector<1024x8xf32> -> vector<8x1024xf32>
    %swap3A_55 = arith.constant 0 : index
    %swap3A_56 = arith.constant 0 : index
    %swap3A_57 = vector.load %arg10[%swap3A_55, %swap3A_56] : memref<8x1024xf32, #tpu.memory_space<vmem>>, vector<8x1024xf32>
    tpu.vector_store %arg10[%swap3A_55, %swap3A_56], %transpose3A_54 {strides = array<i32>} : memref<8x1024xf32, #tpu.memory_space<vmem>>, vector<8x1024xf32>,
    return
  }
  func.func @transform_0(%arg0: i32) -> (i32, i32) {
    %c0_i32 = arith.constant 0 : i32
    %c0_i32_0 = arith.constant 0 : i32
    return %arg0, %c0_i32 : i32, i32
  }
  func.func @transform_1(%arg0: i32) -> (i32, i32) {
    %c0_i32 = arith.constant 0 : i32
    %c0_i32_0 = arith.constant 0 : i32
    %c0_i32_1 = arith.constant 0 : i32
    return %c0_i32, %c0_i32_0 : i32, i32
  }
  func.func @transform_2(%arg0: i32) -> (i32, i32) {
    %c0_i32 = arith.constant 0 : i32
    %c0_i32_0 = arith.constant 0 : i32
    %c0_i32_1 = arith.constant 0 : i32
    return %c0_i32, %c0_i32_0 : i32, i32
  }
  func.func @transform_3(%arg0: i32) -> (i32, i32) {
    %c0_i32 = arith.constant 0 : i32
    %c0_i32_0 = arith.constant 0 : i32
    %c0_i32_1 = arith.constant 0 : i32
    return %c0_i32, %c0_i32_0 : i32, i32
  }
  func.func @transform_4(%arg0: i32) -> (i32, i32) {
    %c0_i32 = arith.constant 0 : i32
    %c0_i32_0 = arith.constant 0 : i32
    %c0_i32_1 = arith.constant 0 : i32
    return %c0_i32, %c0_i32_0 : i32, i32
  }
  func.func @transform_5(%arg0: i32) -> (i32, i32) {
    %c0_i32 = arith.constant 0 : i32
    %c0_i32_0 = arith.constant 0 : i32
    %c0_i32_1 = arith.constant 0 : i32
    return %c0_i32, %c0_i32_0 : i32, i32
  }
  func.func @transform_6(%arg0: i32) -> (i32, i32) {
    %c0_i32 = arith.constant 0 : i32
    %c0_i32_0 = arith.constant 0 : i32
    %c0_i32_1 = arith.constant 0 : i32
    return %c0_i32, %c0_i32_0 : i32, i32
  }
  func.func @transform_7(%arg0: i32) -> (i32, i32) {
    %c0_i32 = arith.constant 0 : i32
    %c0_i32_0 = arith.constant 0 : i32
    return %arg0, %c0_i32 : i32, i32
  }
  func.func @transform_8(%arg0: i32) -> (i32, i32) {
    %c0_i32 = arith.constant 0 : i32
    %c0_i32_0 = arith.constant 0 : i32
    return %c0_i32, %arg0 : i32, i32
  }
  func.func @transform_9(%arg0: i32) -> (i32, i32) {
    %c0_i32 = arith.constant 0 : i32
    %c0_i32_0 = arith.constant 0 : i32
    return %c0_i32, %arg0 : i32, i32
  }
}

module attributes {stable_mosaic.version = 14 : i64} {
  func.func @_stage_c(%arg0: i32, %arg1: memref<1024x256xbf16, #tpu.memory_space<vmem>>, %arg2: memref<8x1024xf32, #tpu.memory_space<vmem>>, %arg3: memref<8x1024xf32, #tpu.memory_space<vmem>>, %arg4: memref<1x256xf32, #tpu.memory_space<vmem>>, %arg5: memref<1x256xf32, #tpu.memory_space<vmem>>, %arg6: memref<256x2048xbf16, #tpu.memory_space<vmem>>, %arg7: memref<1x2048xf32, #tpu.memory_space<vmem>>, %arg8: memref<2048x256xbf16, #tpu.memory_space<vmem>>, %arg9: memref<8x256xf32, #tpu.memory_space<vmem>>, %arg10: memref<8x2048xbf16, #tpu.memory_space<vmem>>, %arg11: memref<1x256xf32, #tpu.memory_space<vmem>>, %arg12: memref<1x256xf32, #tpu.memory_space<vmem>>, %arg13: memref<1x256xf32, #tpu.memory_space<vmem>>, %arg14: memref<1x256xf32, #tpu.memory_space<vmem>>, %arg15: memref<256x1024xbf16, #tpu.memory_space<vmem>>, %arg16: memref<1x1024xf32, #tpu.memory_space<vmem>>, %arg17: memref<256x256xbf16, #tpu.memory_space<vmem>>, %arg18: memref<1x256xf32, #tpu.memory_space<vmem>>, %arg19: memref<1024x1024xf32, #tpu.memory_space<vmem>>, %arg20: memref<1024x256xf32, #tpu.memory_space<vmem>>) attributes {dimension_semantics = [#tpu.dimension_semantics<arbitrary>], iteration_bounds = array<i64: 16>, scalar_prefetch = 0 : i64, scratch_operands = 0 : i64, tpu.core_type = #tpu.core_type<tc>, window_params = [{transform_indices = @transform_0, window_bounds = array<i64: 1024, 256>}, {transform_indices = @transform_1, window_bounds = array<i64: 8, 1024>}, {transform_indices = @transform_2, window_bounds = array<i64: 8, 1024>}, {pipeline_mode = #tpu.pipeline_mode<synchronous>, transform_indices = @transform_3, window_bounds = array<i64: 1, 256>}, {pipeline_mode = #tpu.pipeline_mode<synchronous>, transform_indices = @transform_4, window_bounds = array<i64: 1, 256>}, {pipeline_mode = #tpu.pipeline_mode<synchronous>, transform_indices = @transform_5, window_bounds = array<i64: 256, 2048>}, {pipeline_mode = #tpu.pipeline_mode<synchronous>, transform_indices = @transform_6, window_bounds = array<i64: 1, 2048>}, {pipeline_mode = #tpu.pipeline_mode<synchronous>, transform_indices = @transform_7, window_bounds = array<i64: 2048, 256>}, {pipeline_mode = #tpu.pipeline_mode<synchronous>, transform_indices = @transform_8, window_bounds = array<i64: 8, 256>}, {pipeline_mode = #tpu.pipeline_mode<synchronous>, transform_indices = @transform_9, window_bounds = array<i64: 8, 2048>}, {pipeline_mode = #tpu.pipeline_mode<synchronous>, transform_indices = @transform_10, window_bounds = array<i64: 1, 256>}, {pipeline_mode = #tpu.pipeline_mode<synchronous>, transform_indices = @transform_11, window_bounds = array<i64: 1, 256>}, {pipeline_mode = #tpu.pipeline_mode<synchronous>, transform_indices = @transform_12, window_bounds = array<i64: 1, 256>}, {pipeline_mode = #tpu.pipeline_mode<synchronous>, transform_indices = @transform_13, window_bounds = array<i64: 1, 256>}, {pipeline_mode = #tpu.pipeline_mode<synchronous>, transform_indices = @transform_14, window_bounds = array<i64: 256, 1024>}, {pipeline_mode = #tpu.pipeline_mode<synchronous>, transform_indices = @transform_15, window_bounds = array<i64: 1, 1024>}, {pipeline_mode = #tpu.pipeline_mode<synchronous>, transform_indices = @transform_16, window_bounds = array<i64: 256, 256>}, {pipeline_mode = #tpu.pipeline_mode<synchronous>, transform_indices = @transform_17, window_bounds = array<i64: 1, 256>}, {transform_indices = @transform_18, window_bounds = array<i64: 1024, 1024>}, {transform_indices = @transform_19, window_bounds = array<i64: 1024, 256>}]} {
    %get3A = arith.constant 0 : index
    %get3A_0 = arith.constant 0 : index
    %get3A_1 = vector.load %arg1[%get3A, %get3A_0] : memref<1024x256xbf16, #tpu.memory_space<vmem>>, vector<1024x256xbf16>
    %convert_element_type3A = arith.extf %get3A_1 : vector<1024x256xbf16> to vector<1024x256xf32>
    %get3A_2 = arith.constant 0 : index
    %get3A_3 = arith.constant 0 : index
    %get3A_4 = vector.load %arg4[%get3A_2, %get3A_3] : memref<1x256xf32, #tpu.memory_space<vmem>>, vector<1x256xf32>
    %add3A = vector.broadcast %get3A_4 : vector<1x256xf32> to vector<1024x256xf32>
    %add3A_5 = arith.addf %convert_element_type3A, %add3A : vector<1024x256xf32>
    %get3A_6 = arith.constant 0 : index
    %get3A_7 = arith.constant 0 : index
    %get3A_8 = vector.load %arg2[%get3A_6, %get3A_7] : memref<8x1024xf32, #tpu.memory_space<vmem>>, vector<8x1024xf32>
    %transpose3A = tpu.transpose %get3A_8, [1, 0] : vector<8x1024xf32> -> vector<1024x8xf32>
    %get3A_9 = arith.constant 0 : index
    %get3A_10 = arith.constant 0 : index
    %get3A_11 = vector.load %arg6[%get3A_9, %get3A_10] : memref<256x2048xbf16, #tpu.memory_space<vmem>>, vector<256x2048xbf16>
    %convert_element_type3A_12 = arith.truncf %add3A_5 : vector<1024x256xf32> to vector<1024x256xbf16>
    %dot_general3A = arith.constant dense<0.000000e+00> : vector<1024x2048xf32>
    %dot_general3A_13 = tpu.matmul %convert_element_type3A_12, %get3A_11, %dot_general3A {dimension_numbers = #tpu.dot_dimension_numbers<[1], [0], [0], [1], [0, 0, 1, 1], [], []>, transpose_lhs_hint = false} : vector<1024x256xbf16>, vector<256x2048xbf16>, vector<1024x2048xf32> -> vector<1024x2048xf32>
    %get3A_14 = arith.constant 0 : index
    %get3A_15 = arith.constant 0 : index
    %get3A_16 = vector.load %arg7[%get3A_14, %get3A_15] : memref<1x2048xf32, #tpu.memory_space<vmem>>, vector<1x2048xf32>
    %add3A_17 = vector.broadcast %get3A_16 : vector<1x2048xf32> to vector<1024x2048xf32>
    %add3A_18 = arith.addf %dot_general3A_13, %add3A_17 : vector<1024x2048xf32>
    %convert_element_type3A_19 = arith.truncf %add3A_18 : vector<1024x2048xf32> to vector<1024x2048xbf16>
    %mul3A = arith.constant 5.000000e-01 : bf16
    %mul3A_20 = vector.broadcast %mul3A : bf16 to vector<1024x2048xbf16>
    %mul3A_21 = arith.mulf %mul3A_20, %convert_element_type3A_19 : vector<1024x2048xbf16>
    %mul3A_22 = arith.constant 7.070310e-01 : bf16
    %mul3A_23 = vector.broadcast %mul3A_22 : bf16 to vector<1024x2048xbf16>
    %mul3A_24 = arith.mulf %convert_element_type3A_19, %mul3A_23 : vector<1024x2048xbf16>
    %erf3A = math.erf %mul3A_24 : vector<1024x2048xbf16>
    %add3A_25 = arith.constant 1.000000e+00 : bf16
    %add3A_26 = vector.broadcast %add3A_25 : bf16 to vector<1024x2048xbf16>
    %add3A_27 = arith.addf %add3A_26, %erf3A : vector<1024x2048xbf16>
    %mul3A_28 = arith.mulf %mul3A_21, %add3A_27 : vector<1024x2048xbf16>
    %get3A_29 = arith.constant 0 : index
    %get3A_30 = arith.constant 0 : index
    %get3A_31 = vector.load %arg10[%get3A_29, %get3A_30] : memref<8x2048xbf16, #tpu.memory_space<vmem>>, vector<8x2048xbf16>
    %convert_element_type3A_32 = arith.truncf %transpose3A : vector<1024x8xf32> to vector<1024x8xbf16>
    %dot_general3A_33 = arith.constant dense<0.000000e+00> : vector<1024x2048xf32>
    %dot_general3A_34 = tpu.matmul %convert_element_type3A_32, %get3A_31, %dot_general3A_33 {dimension_numbers = #tpu.dot_dimension_numbers<[1], [0], [0], [1], [0, 0, 1, 1], [], []>, transpose_lhs_hint = false} : vector<1024x8xbf16>, vector<8x2048xbf16>, vector<1024x2048xf32> -> vector<1024x2048xf32>
    %convert_element_type3A_35 = arith.truncf %dot_general3A_34 : vector<1024x2048xf32> to vector<1024x2048xbf16>
    %mul3A_36 = arith.mulf %mul3A_28, %convert_element_type3A_35 : vector<1024x2048xbf16>
    %get3A_37 = arith.constant 0 : index
    %get3A_38 = arith.constant 0 : index
    %get3A_39 = vector.load %arg8[%get3A_37, %get3A_38] : memref<2048x256xbf16, #tpu.memory_space<vmem>>, vector<2048x256xbf16>
    %dot_general3A_40 = arith.constant dense<0.000000e+00> : vector<1024x256xf32>
    %dot_general3A_41 = tpu.matmul %mul3A_36, %get3A_39, %dot_general3A_40 {dimension_numbers = #tpu.dot_dimension_numbers<[1], [0], [0], [1], [0, 0, 1, 1], [], []>, transpose_lhs_hint = false} : vector<1024x2048xbf16>, vector<2048x256xbf16>, vector<1024x256xf32> -> vector<1024x256xf32>
    %get3A_42 = arith.constant 0 : index
    %get3A_43 = arith.constant 0 : index
    %get3A_44 = vector.load %arg9[%get3A_42, %get3A_43] : memref<8x256xf32, #tpu.memory_space<vmem>>, vector<8x256xf32>
    %dot_general3A_45 = arith.constant dense<0.000000e+00> : vector<1024x256xf32>
    %dot_general3A_46 = tpu.matmul %transpose3A, %get3A_44, %dot_general3A_45 {dimension_numbers = #tpu.dot_dimension_numbers<[1], [0], [0], [1], [0, 0, 1, 1], [], []>, transpose_lhs_hint = false} : vector<1024x8xf32>, vector<8x256xf32>, vector<1024x256xf32> -> vector<1024x256xf32>
    %add3A_47 = arith.addf %dot_general3A_41, %dot_general3A_46 : vector<1024x256xf32>
    %reduce_sum3A = arith.constant dense<0.000000e+00> : vector<1024xf32>
    %reduce_sum3A_48 = vector.multi_reduction <add>, %add3A_47, %reduce_sum3A [1] : vector<1024x256xf32> to vector<1024xf32>
    %broadcast_in_dim3A = vector.shape_cast %reduce_sum3A_48 : vector<1024xf32> to vector<1024x1xf32>
    %div3A = arith.constant 2.560000e+02 : f32
    %div3A_49 = vector.broadcast %div3A : f32 to vector<1024x1xf32>
    %div3A_50 = arith.divf %broadcast_in_dim3A, %div3A_49 : vector<1024x1xf32>
    %sub3A = vector.broadcast %div3A_50 : vector<1024x1xf32> to vector<1024x256xf32>
    %sub3A_51 = arith.subf %add3A_47, %sub3A : vector<1024x256xf32>
    %integer_pow3A = arith.mulf %sub3A_51, %sub3A_51 : vector<1024x256xf32>
    %reduce_sum3A_52 = arith.constant dense<0.000000e+00> : vector<1024xf32>
    %reduce_sum3A_53 = vector.multi_reduction <add>, %integer_pow3A, %reduce_sum3A_52 [1] : vector<1024x256xf32> to vector<1024xf32>
    %broadcast_in_dim3A_54 = vector.shape_cast %reduce_sum3A_53 : vector<1024xf32> to vector<1024x1xf32>
    %div3A_55 = arith.constant 2.560000e+02 : f32
    %div3A_56 = vector.broadcast %div3A_55 : f32 to vector<1024x1xf32>
    %div3A_57 = arith.divf %broadcast_in_dim3A_54, %div3A_56 : vector<1024x1xf32>
    %get3A_58 = arith.constant 0 : index
    %get3A_59 = arith.constant 0 : index
    %get3A_60 = vector.load %arg11[%get3A_58, %get3A_59] : memref<1x256xf32, #tpu.memory_space<vmem>>, vector<1x256xf32>
    %sub3A_61 = vector.broadcast %div3A_50 : vector<1024x1xf32> to vector<1024x256xf32>
    %sub3A_62 = arith.subf %add3A_47, %sub3A_61 : vector<1024x256xf32>
    %mul3A_63 = vector.broadcast %get3A_60 : vector<1x256xf32> to vector<1024x256xf32>
    %mul3A_64 = arith.mulf %mul3A_63, %sub3A_62 : vector<1024x256xf32>
    %add3A_65 = arith.constant 9.99999974E-6 : f32
    %add3A_66 = vector.broadcast %add3A_65 : f32 to vector<1024x1xf32>
    %add3A_67 = arith.addf %div3A_57, %add3A_66 : vector<1024x1xf32>
    %rsqrt3A = math.rsqrt %add3A_67 : vector<1024x1xf32>
    %mul3A_68 = vector.broadcast %rsqrt3A : vector<1024x1xf32> to vector<1024x256xf32>
    %mul3A_69 = arith.mulf %mul3A_64, %mul3A_68 : vector<1024x256xf32>
    %get3A_70 = arith.constant 0 : index
    %get3A_71 = arith.constant 0 : index
    %get3A_72 = vector.load %arg12[%get3A_70, %get3A_71] : memref<1x256xf32, #tpu.memory_space<vmem>>, vector<1x256xf32>
    %add3A_73 = vector.broadcast %get3A_72 : vector<1x256xf32> to vector<1024x256xf32>
    %add3A_74 = arith.addf %mul3A_69, %add3A_73 : vector<1024x256xf32>
    %mul3A_75 = arith.constant 5.000000e-01 : f32
    %mul3A_76 = vector.broadcast %mul3A_75 : f32 to vector<1024x256xf32>
    %mul3A_77 = arith.mulf %mul3A_76, %add3A_74 : vector<1024x256xf32>
    %mul3A_78 = arith.constant 0.707106769 : f32
    %mul3A_79 = vector.broadcast %mul3A_78 : f32 to vector<1024x256xf32>
    %mul3A_80 = arith.mulf %add3A_74, %mul3A_79 : vector<1024x256xf32>
    %erf3A_81 = math.erf %mul3A_80 : vector<1024x256xf32>
    %add3A_82 = arith.constant 1.000000e+00 : f32
    %add3A_83 = vector.broadcast %add3A_82 : f32 to vector<1024x256xf32>
    %add3A_84 = arith.addf %add3A_83, %erf3A_81 : vector<1024x256xf32>
    %mul3A_85 = arith.mulf %mul3A_77, %add3A_84 : vector<1024x256xf32>
    %add3A_86 = arith.addf %mul3A_85, %add3A_5 : vector<1024x256xf32>
    %get3A_87 = arith.constant 0 : index
    %get3A_88 = arith.constant 0 : index
    %get3A_89 = vector.load %arg5[%get3A_87, %get3A_88] : memref<1x256xf32, #tpu.memory_space<vmem>>, vector<1x256xf32>
    %add3A_90 = vector.broadcast %get3A_89 : vector<1x256xf32> to vector<1024x256xf32>
    %add3A_91 = arith.addf %convert_element_type3A, %add3A_90 : vector<1024x256xf32>
    %get3A_92 = arith.constant 0 : index
    %get3A_93 = arith.constant 0 : index
    %get3A_94 = vector.load %arg3[%get3A_92, %get3A_93] : memref<8x1024xf32, #tpu.memory_space<vmem>>, vector<8x1024xf32>
    %transpose3A_95 = tpu.transpose %get3A_94, [1, 0] : vector<8x1024xf32> -> vector<1024x8xf32>
    %get3A_96 = arith.constant 0 : index
    %get3A_97 = arith.constant 0 : index
    %get3A_98 = vector.load %arg6[%get3A_96, %get3A_97] : memref<256x2048xbf16, #tpu.memory_space<vmem>>, vector<256x2048xbf16>
    %convert_element_type3A_99 = arith.truncf %add3A_91 : vector<1024x256xf32> to vector<1024x256xbf16>
    %dot_general3A_100 = arith.constant dense<0.000000e+00> : vector<1024x2048xf32>
    %dot_general3A_101 = tpu.matmul %convert_element_type3A_99, %get3A_98, %dot_general3A_100 {dimension_numbers = #tpu.dot_dimension_numbers<[1], [0], [0], [1], [0, 0, 1, 1], [], []>, transpose_lhs_hint = false} : vector<1024x256xbf16>, vector<256x2048xbf16>, vector<1024x2048xf32> -> vector<1024x2048xf32>
    %get3A_102 = arith.constant 0 : index
    %get3A_103 = arith.constant 0 : index
    %get3A_104 = vector.load %arg7[%get3A_102, %get3A_103] : memref<1x2048xf32, #tpu.memory_space<vmem>>, vector<1x2048xf32>
    %add3A_105 = vector.broadcast %get3A_104 : vector<1x2048xf32> to vector<1024x2048xf32>
    %add3A_106 = arith.addf %dot_general3A_101, %add3A_105 : vector<1024x2048xf32>
    %convert_element_type3A_107 = arith.truncf %add3A_106 : vector<1024x2048xf32> to vector<1024x2048xbf16>
    %mul3A_108 = arith.constant 5.000000e-01 : bf16
    %mul3A_109 = vector.broadcast %mul3A_108 : bf16 to vector<1024x2048xbf16>
    %mul3A_110 = arith.mulf %mul3A_109, %convert_element_type3A_107 : vector<1024x2048xbf16>
    %mul3A_111 = arith.constant 7.070310e-01 : bf16
    %mul3A_112 = vector.broadcast %mul3A_111 : bf16 to vector<1024x2048xbf16>
    %mul3A_113 = arith.mulf %convert_element_type3A_107, %mul3A_112 : vector<1024x2048xbf16>
    %erf3A_114 = math.erf %mul3A_113 : vector<1024x2048xbf16>
    %add3A_115 = arith.constant 1.000000e+00 : bf16
    %add3A_116 = vector.broadcast %add3A_115 : bf16 to vector<1024x2048xbf16>
    %add3A_117 = arith.addf %add3A_116, %erf3A_114 : vector<1024x2048xbf16>
    %mul3A_118 = arith.mulf %mul3A_110, %add3A_117 : vector<1024x2048xbf16>
    %get3A_119 = arith.constant 0 : index
    %get3A_120 = arith.constant 0 : index
    %get3A_121 = vector.load %arg10[%get3A_119, %get3A_120] : memref<8x2048xbf16, #tpu.memory_space<vmem>>, vector<8x2048xbf16>
    %convert_element_type3A_122 = arith.truncf %transpose3A_95 : vector<1024x8xf32> to vector<1024x8xbf16>
    %dot_general3A_123 = arith.constant dense<0.000000e+00> : vector<1024x2048xf32>
    %dot_general3A_124 = tpu.matmul %convert_element_type3A_122, %get3A_121, %dot_general3A_123 {dimension_numbers = #tpu.dot_dimension_numbers<[1], [0], [0], [1], [0, 0, 1, 1], [], []>, transpose_lhs_hint = false} : vector<1024x8xbf16>, vector<8x2048xbf16>, vector<1024x2048xf32> -> vector<1024x2048xf32>
    %convert_element_type3A_125 = arith.truncf %dot_general3A_124 : vector<1024x2048xf32> to vector<1024x2048xbf16>
    %mul3A_126 = arith.mulf %mul3A_118, %convert_element_type3A_125 : vector<1024x2048xbf16>
    %get3A_127 = arith.constant 0 : index
    %get3A_128 = arith.constant 0 : index
    %get3A_129 = vector.load %arg8[%get3A_127, %get3A_128] : memref<2048x256xbf16, #tpu.memory_space<vmem>>, vector<2048x256xbf16>
    %dot_general3A_130 = arith.constant dense<0.000000e+00> : vector<1024x256xf32>
    %dot_general3A_131 = tpu.matmul %mul3A_126, %get3A_129, %dot_general3A_130 {dimension_numbers = #tpu.dot_dimension_numbers<[1], [0], [0], [1], [0, 0, 1, 1], [], []>, transpose_lhs_hint = false} : vector<1024x2048xbf16>, vector<2048x256xbf16>, vector<1024x256xf32> -> vector<1024x256xf32>
    %get3A_132 = arith.constant 0 : index
    %get3A_133 = arith.constant 0 : index
    %get3A_134 = vector.load %arg9[%get3A_132, %get3A_133] : memref<8x256xf32, #tpu.memory_space<vmem>>, vector<8x256xf32>
    %dot_general3A_135 = arith.constant dense<0.000000e+00> : vector<1024x256xf32>
    %dot_general3A_136 = tpu.matmul %transpose3A_95, %get3A_134, %dot_general3A_135 {dimension_numbers = #tpu.dot_dimension_numbers<[1], [0], [0], [1], [0, 0, 1, 1], [], []>, transpose_lhs_hint = false} : vector<1024x8xf32>, vector<8x256xf32>, vector<1024x256xf32> -> vector<1024x256xf32>
    %add3A_137 = arith.addf %dot_general3A_131, %dot_general3A_136 : vector<1024x256xf32>
    %reduce_sum3A_138 = arith.constant dense<0.000000e+00> : vector<1024xf32>
    %reduce_sum3A_139 = vector.multi_reduction <add>, %add3A_137, %reduce_sum3A_138 [1] : vector<1024x256xf32> to vector<1024xf32>
    %broadcast_in_dim3A_140 = vector.shape_cast %reduce_sum3A_139 : vector<1024xf32> to vector<1024x1xf32>
    %div3A_141 = arith.constant 2.560000e+02 : f32
    %div3A_142 = vector.broadcast %div3A_141 : f32 to vector<1024x1xf32>
    %div3A_143 = arith.divf %broadcast_in_dim3A_140, %div3A_142 : vector<1024x1xf32>
    %sub3A_144 = vector.broadcast %div3A_143 : vector<1024x1xf32> to vector<1024x256xf32>
    %sub3A_145 = arith.subf %add3A_137, %sub3A_144 : vector<1024x256xf32>
    %integer_pow3A_146 = arith.mulf %sub3A_145, %sub3A_145 : vector<1024x256xf32>
    %reduce_sum3A_147 = arith.constant dense<0.000000e+00> : vector<1024xf32>
    %reduce_sum3A_148 = vector.multi_reduction <add>, %integer_pow3A_146, %reduce_sum3A_147 [1] : vector<1024x256xf32> to vector<1024xf32>
    %broadcast_in_dim3A_149 = vector.shape_cast %reduce_sum3A_148 : vector<1024xf32> to vector<1024x1xf32>
    %div3A_150 = arith.constant 2.560000e+02 : f32
    %div3A_151 = vector.broadcast %div3A_150 : f32 to vector<1024x1xf32>
    %div3A_152 = arith.divf %broadcast_in_dim3A_149, %div3A_151 : vector<1024x1xf32>
    %get3A_153 = arith.constant 0 : index
    %get3A_154 = arith.constant 0 : index
    %get3A_155 = vector.load %arg13[%get3A_153, %get3A_154] : memref<1x256xf32, #tpu.memory_space<vmem>>, vector<1x256xf32>
    %sub3A_156 = vector.broadcast %div3A_143 : vector<1024x1xf32> to vector<1024x256xf32>
    %sub3A_157 = arith.subf %add3A_137, %sub3A_156 : vector<1024x256xf32>
    %mul3A_158 = vector.broadcast %get3A_155 : vector<1x256xf32> to vector<1024x256xf32>
    %mul3A_159 = arith.mulf %mul3A_158, %sub3A_157 : vector<1024x256xf32>
    %add3A_160 = arith.constant 9.99999974E-6 : f32
    %add3A_161 = vector.broadcast %add3A_160 : f32 to vector<1024x1xf32>
    %add3A_162 = arith.addf %div3A_152, %add3A_161 : vector<1024x1xf32>
    %rsqrt3A_163 = math.rsqrt %add3A_162 : vector<1024x1xf32>
    %mul3A_164 = vector.broadcast %rsqrt3A_163 : vector<1024x1xf32> to vector<1024x256xf32>
    %mul3A_165 = arith.mulf %mul3A_159, %mul3A_164 : vector<1024x256xf32>
    %get3A_166 = arith.constant 0 : index
    %get3A_167 = arith.constant 0 : index
    %get3A_168 = vector.load %arg14[%get3A_166, %get3A_167] : memref<1x256xf32, #tpu.memory_space<vmem>>, vector<1x256xf32>
    %add3A_169 = vector.broadcast %get3A_168 : vector<1x256xf32> to vector<1024x256xf32>
    %add3A_170 = arith.addf %mul3A_165, %add3A_169 : vector<1024x256xf32>
    %mul3A_171 = arith.constant 5.000000e-01 : f32
    %mul3A_172 = vector.broadcast %mul3A_171 : f32 to vector<1024x256xf32>
    %mul3A_173 = arith.mulf %mul3A_172, %add3A_170 : vector<1024x256xf32>
    %mul3A_174 = arith.constant 0.707106769 : f32
    %mul3A_175 = vector.broadcast %mul3A_174 : f32 to vector<1024x256xf32>
    %mul3A_176 = arith.mulf %add3A_170, %mul3A_175 : vector<1024x256xf32>
    %erf3A_177 = math.erf %mul3A_176 : vector<1024x256xf32>
    %add3A_178 = arith.constant 1.000000e+00 : f32
    %add3A_179 = vector.broadcast %add3A_178 : f32 to vector<1024x256xf32>
    %add3A_180 = arith.addf %add3A_179, %erf3A_177 : vector<1024x256xf32>
    %mul3A_181 = arith.mulf %mul3A_173, %add3A_180 : vector<1024x256xf32>
    %add3A_182 = arith.addf %mul3A_181, %add3A_91 : vector<1024x256xf32>
    %get3A_183 = arith.constant 0 : index
    %get3A_184 = arith.constant 0 : index
    %get3A_185 = vector.load %arg15[%get3A_183, %get3A_184] : memref<256x1024xbf16, #tpu.memory_space<vmem>>, vector<256x1024xbf16>
    %convert_element_type3A_186 = arith.truncf %add3A_86 : vector<1024x256xf32> to vector<1024x256xbf16>
    %dot_general3A_187 = arith.constant dense<0.000000e+00> : vector<1024x1024xf32>
    %dot_general3A_188 = tpu.matmul %convert_element_type3A_186, %get3A_185, %dot_general3A_187 {dimension_numbers = #tpu.dot_dimension_numbers<[1], [0], [0], [1], [0, 0, 1, 1], [], []>, transpose_lhs_hint = false} : vector<1024x256xbf16>, vector<256x1024xbf16>, vector<1024x1024xf32> -> vector<1024x1024xf32>
    %get3A_189 = arith.constant 0 : index
    %get3A_190 = arith.constant 0 : index
    %get3A_191 = vector.load %arg16[%get3A_189, %get3A_190] : memref<1x1024xf32, #tpu.memory_space<vmem>>, vector<1x1024xf32>
    %add3A_192 = vector.broadcast %get3A_191 : vector<1x1024xf32> to vector<1024x1024xf32>
    %add3A_193 = arith.addf %dot_general3A_188, %add3A_192 : vector<1024x1024xf32>
    %swap3A = arith.constant 0 : index
    %swap3A_194 = arith.constant 0 : index
    %swap3A_195 = vector.load %arg19[%swap3A, %swap3A_194] : memref<1024x1024xf32, #tpu.memory_space<vmem>>, vector<1024x1024xf32>
    tpu.vector_store %arg19[%swap3A, %swap3A_194], %add3A_193 {strides = array<i32>} : memref<1024x1024xf32, #tpu.memory_space<vmem>>, vector<1024x1024xf32>,
    %get3A_196 = arith.constant 0 : index
    %get3A_197 = arith.constant 0 : index
    %get3A_198 = vector.load %arg17[%get3A_196, %get3A_197] : memref<256x256xbf16, #tpu.memory_space<vmem>>, vector<256x256xbf16>
    %convert_element_type3A_199 = arith.truncf %add3A_182 : vector<1024x256xf32> to vector<1024x256xbf16>
    %dot_general3A_200 = arith.constant dense<0.000000e+00> : vector<1024x256xf32>
    %dot_general3A_201 = tpu.matmul %convert_element_type3A_199, %get3A_198, %dot_general3A_200 {dimension_numbers = #tpu.dot_dimension_numbers<[1], [0], [0], [1], [0, 0, 1, 1], [], []>, transpose_lhs_hint = false} : vector<1024x256xbf16>, vector<256x256xbf16>, vector<1024x256xf32> -> vector<1024x256xf32>
    %get3A_202 = arith.constant 0 : index
    %get3A_203 = arith.constant 0 : index
    %get3A_204 = vector.load %arg18[%get3A_202, %get3A_203] : memref<1x256xf32, #tpu.memory_space<vmem>>, vector<1x256xf32>
    %add3A_205 = vector.broadcast %get3A_204 : vector<1x256xf32> to vector<1024x256xf32>
    %add3A_206 = arith.addf %dot_general3A_201, %add3A_205 : vector<1024x256xf32>
    %swap3A_207 = arith.constant 0 : index
    %swap3A_208 = arith.constant 0 : index
    %swap3A_209 = vector.load %arg20[%swap3A_207, %swap3A_208] : memref<1024x256xf32, #tpu.memory_space<vmem>>, vector<1024x256xf32>
    tpu.vector_store %arg20[%swap3A_207, %swap3A_208], %add3A_206 {strides = array<i32>} : memref<1024x256xf32, #tpu.memory_space<vmem>>, vector<1024x256xf32>,
    return
  }
  func.func @transform_0(%arg0: i32) -> (i32, i32) {
    %c0_i32 = arith.constant 0 : i32
    %c0_i32_0 = arith.constant 0 : i32
    return %arg0, %c0_i32 : i32, i32
  }
  func.func @transform_1(%arg0: i32) -> (i32, i32) {
    %c0_i32 = arith.constant 0 : i32
    %c0_i32_0 = arith.constant 0 : i32
    return %c0_i32, %arg0 : i32, i32
  }
  func.func @transform_2(%arg0: i32) -> (i32, i32) {
    %c0_i32 = arith.constant 0 : i32
    %c0_i32_0 = arith.constant 0 : i32
    return %c0_i32, %arg0 : i32, i32
  }
  func.func @transform_3(%arg0: i32) -> (i32, i32) {
    %c0_i32 = arith.constant 0 : i32
    %c0_i32_0 = arith.constant 0 : i32
    %c0_i32_1 = arith.constant 0 : i32
    return %c0_i32, %c0_i32_0 : i32, i32
  }
  func.func @transform_4(%arg0: i32) -> (i32, i32) {
    %c0_i32 = arith.constant 0 : i32
    %c0_i32_0 = arith.constant 0 : i32
    %c0_i32_1 = arith.constant 0 : i32
    return %c0_i32, %c0_i32_0 : i32, i32
  }
  func.func @transform_5(%arg0: i32) -> (i32, i32) {
    %c0_i32 = arith.constant 0 : i32
    %c0_i32_0 = arith.constant 0 : i32
    %c0_i32_1 = arith.constant 0 : i32
    return %c0_i32, %c0_i32_0 : i32, i32
  }
  func.func @transform_6(%arg0: i32) -> (i32, i32) {
    %c0_i32 = arith.constant 0 : i32
    %c0_i32_0 = arith.constant 0 : i32
    %c0_i32_1 = arith.constant 0 : i32
    return %c0_i32, %c0_i32_0 : i32, i32
  }
  func.func @transform_7(%arg0: i32) -> (i32, i32) {
    %c0_i32 = arith.constant 0 : i32
    %c0_i32_0 = arith.constant 0 : i32
    %c0_i32_1 = arith.constant 0 : i32
    return %c0_i32, %c0_i32_0 : i32, i32
  }
  func.func @transform_8(%arg0: i32) -> (i32, i32) {
    %c0_i32 = arith.constant 0 : i32
    %c0_i32_0 = arith.constant 0 : i32
    %c0_i32_1 = arith.constant 0 : i32
    return %c0_i32, %c0_i32_0 : i32, i32
  }
  func.func @transform_9(%arg0: i32) -> (i32, i32) {
    %c0_i32 = arith.constant 0 : i32
    %c0_i32_0 = arith.constant 0 : i32
    %c0_i32_1 = arith.constant 0 : i32
    return %c0_i32, %c0_i32_0 : i32, i32
  }
  func.func @transform_10(%arg0: i32) -> (i32, i32) {
    %c0_i32 = arith.constant 0 : i32
    %c0_i32_0 = arith.constant 0 : i32
    %c0_i32_1 = arith.constant 0 : i32
    return %c0_i32, %c0_i32_0 : i32, i32
  }
  func.func @transform_11(%arg0: i32) -> (i32, i32) {
    %c0_i32 = arith.constant 0 : i32
    %c0_i32_0 = arith.constant 0 : i32
    %c0_i32_1 = arith.constant 0 : i32
    return %c0_i32, %c0_i32_0 : i32, i32
  }
  func.func @transform_12(%arg0: i32) -> (i32, i32) {
    %c0_i32 = arith.constant 0 : i32
    %c0_i32_0 = arith.constant 0 : i32
    %c0_i32_1 = arith.constant 0 : i32
    return %c0_i32, %c0_i32_0 : i32, i32
  }
  func.func @transform_13(%arg0: i32) -> (i32, i32) {
    %c0_i32 = arith.constant 0 : i32
    %c0_i32_0 = arith.constant 0 : i32
    %c0_i32_1 = arith.constant 0 : i32
    return %c0_i32, %c0_i32_0 : i32, i32
  }
  func.func @transform_14(%arg0: i32) -> (i32, i32) {
    %c0_i32 = arith.constant 0 : i32
    %c0_i32_0 = arith.constant 0 : i32
    %c0_i32_1 = arith.constant 0 : i32
    return %c0_i32, %c0_i32_0 : i32, i32
  }
  func.func @transform_15(%arg0: i32) -> (i32, i32) {
    %c0_i32 = arith.constant 0 : i32
    %c0_i32_0 = arith.constant 0 : i32
    %c0_i32_1 = arith.constant 0 : i32
    return %c0_i32, %c0_i32_0 : i32, i32
  }
  func.func @transform_16(%arg0: i32) -> (i32, i32) {
    %c0_i32 = arith.constant 0 : i32
    %c0_i32_0 = arith.constant 0 : i32
    %c0_i32_1 = arith.constant 0 : i32
    return %c0_i32, %c0_i32_0 : i32, i32
  }
  func.func @transform_17(%arg0: i32) -> (i32, i32) {
    %c0_i32 = arith.constant 0 : i32
    %c0_i32_0 = arith.constant 0 : i32
    %c0_i32_1 = arith.constant 0 : i32
    return %c0_i32, %c0_i32_0 : i32, i32
  }
  func.func @transform_18(%arg0: i32) -> (i32, i32) {
    %c0_i32 = arith.constant 0 : i32
    %c0_i32_0 = arith.constant 0 : i32
    return %arg0, %c0_i32 : i32, i32
  }
  func.func @transform_19(%arg0: i32) -> (i32, i32) {
    %c0_i32 = arith.constant 0 : i32
    %c0_i32_0 = arith.constant 0 : i32
    return %arg0, %c0_i32 : i32, i32
  }
}

</mosaic_0001>

<sc_bundles>
// kernel: kernel.5.cloned.1.call-start
scs
__scs_entry_jumppad:
0x0: {  	(pc) =	sbr.rel $0x88, $3  }
0x1: {  	(tag) =	ssettag $0x0;
	lr =	simm.s32 $0x1  }
0x2: {  	[smem:$0x3F8E] =	sst lr;
	_ =	strace $0xD0000000  }
0x3: {  	_ = 	snop  }
0x4: {  	_ = 	snop  }
0x5: {  	_ = 	snop  }
0x6: {  	_ = 	snop  }
0x7: {  	_ = 	snop  }
__scs_overlays_trampoline_lowered:
0x8: {  	[smem:$0x3F9D] =	sst s0  }
0x9: {  	[smem:$0x3F9E] =	sst s1  }
0xa: {  	[smem:$0x3F9F] =	sst s2  }
0xb: {  	[smem:$0x3FA0] =	sst s3  }
0xc: {  	[smem:$0x3FA1] =	sst s4  }
0xd: {  	[smem:$0x3FA2] =	sst s5  }
0xe: {  	[smem:$0x3FA3] =	sst s6  }
0xf: {  	[smem:$0x3FA4] =	sst s7  }
0x10: {  	[smem:$0x3FA5] =	sst s8  }
0x11: {  	[smem:$0x3FA6] =	sst s9;
	s0 =	simm.s32 @!p0 $0x0  }
0x12: {  	s1 =	sld [smem:$0x3F8C];
	s0 =	simm.s32 @p0 $0x1  }
0x13: {  	[smem:$0x3FA7] =	sst s0;
	s0 =	simm.s32 @!p1 $0x0  }
0x14: {  	s2 =	sld [smem:$0x3F8B];
	s0 =	simm.s32 @p1 $0x1  }
0x15: {  	[smem:$0x3FA8] =	sst s0;
	s0 =	simm.s32 @!p2 $0x0  }
0x16: {  	s3 =	sld [smem:$0x3FDB];
	s0 =	simm.s32 @p2 $0x1  }
0x17: {  	s4 =	simm.s32 $0x1BF5;
	[smem:$0x3FAA] =	sst s0  }
0x18: {  	s0 =	sld [smem:$0x3F8D];
	_ =	swait.ge [sflag:s4], $0x0  }
0x19: {  	s7 =	sld [smem:$0x3F8E]  }
0x1a: {  	s8 =	sadd.s32 $0xFFFFE003, lr  }
0x1b: {  	s9 =	sadd.s32 $0xFFFFFEF7, lr;
	s5 =	simm.s32 $0xFFFFFFFF;
	p2 =	slt.u32 s8, $0xFFFFF086  }
0x1c: {  	p1 =	slt.u32 s9, $0xF7A;
	s5 =	simm.s32 @!p2 $0x0  }
0x1d: {  	s5 =	simm.s32 @p1 $0x1;
	p0 =	seq.s32 s7, s2  }
0x1e: {  	s7 =	smul.u32 @!p0 $0xF7A, s2;
	p2 =	seq.s32 @!p0 s5, $0x0  }
0x1f: {  	s9 =	smul.u32 $0xF7A, s1;
	s8 =	simm.s32 @!p0 $0x1BF5;
	p2 =	por !p2, p0  }
0x20: {  	[sflag:s8] =	ssyncset.s32 @!p0 $0xFFFFF086;
	s6 =	sadd.s32 @!p0 s3, s7;
	s7 =	simm.s32 @!p0 $0x108  }
0x21: {  	s3 =	sadd.s32 s3, s9;
	s6 =	sadd.s32 @!p0 $0x88, s6;
	s7 =	simm.s32 @p2 $0x1082  }
0x22: {  	[simem:s7], [sflag:s8] =	dma.local @!p0 [hbm:s6], $0xF7A  }
0x23: {  	s9 =	sor.u32 $0xD0000000, s2;
	s6 =	simm.s32 $0x108;
	_ =	swait.ge @!p0 [sflag:s8], $0x0  }
0x24: {  	s3 =	sadd.s32 $0x88, s3;
	s6 =	simm.s32 @!p1 $0x1082;
	[sflag:s4] =	ssyncset.s32 $0xFFFFF086  }
0x25: {  	[simem:s6], [sflag:s4] =	dma.local [hbm:s3], $0xF7A  }
0x26: {  	[smem:$0x3F8E] =	sst s1;
	(tag) =	ssettag s2;
	_ =	strace s9  }
0x27: {  	s1 =	sld [smem:$0x3F9E]  }
0x28: {  	s2 =	sld [smem:$0x3F9F]  }
0x29: {  	s4 =	sld [smem:$0x3FA1]  }
0x2a: {  	p0 =	seq.s32 s5, $0x0;
	s5 =	sld [smem:$0x3FA2]  }
0x2b: {  	s6 =	sld [smem:$0x3FA3]  }
0x2c: {  	s7 =	sld [smem:$0x3FA4]  }
0x2d: {  	s3 =	simm.s32 $0x108;
	s8 =	sld [smem:$0x3FA5]  }
0x2e: {  	s3 =	simm.s32 @!p0 $0x1082;
	s9 =	sld [smem:$0x3FA6]  }
0x2f: {  	lr =	sadd.s32 s0, s3;
	s0 =	sld [smem:$0x3F9D]  }
0x30: {  	s3 =	sld [smem:$0x3FA0]  }
0x31: {  	[smem:$0x3FA9] =	sst s10  }
0x32: {  	s10 =	sld [smem:$0x3FA7];
	_ =	sdelay $0x3  }
0x33: {  	p0 =	seq.s32 s10, $0x1;
	s10 =	sld [smem:$0x3FA9];
	_ =	sdelay $0x3  }
0x34: {  	[smem:$0x3FA9] =	sst s10  }
0x35: {  	s10 =	sld [smem:$0x3FA8];
	_ =	sdelay $0x3  }
0x36: {  	p1 =	seq.s32 s10, $0x1;
	s10 =	sld [smem:$0x3FA9];
	_ =	sdelay $0x3  }
0x37: {  	[smem:$0x3FA9] =	sst s10  }
0x38: {  	s10 =	sld [smem:$0x3FAA]  }
0x39: {  	_ = 	snop;
	(pc) =	sbr.ind lr, $3  }
0x3a: {  	_ = 	snop  }
0x3b: {  	_ = 	snop  }
0x3c: {  	p2 =	seq.s32 s10, $0x1;
	s10 =	sld [smem:$0x3FA9]  }
0x3d: {  	_ =	shalt  }
0x3e: {  	_ =	shalt  }
0x3f: {  	_ =	shalt  }
0x40: {  	_ =	shalt  }
0x41: {  	_ =	shalt  }
0x42: {  	_ =	shalt  }
0x43: {  	_ =	shalt  }
0x44: {  	_ =	shalt  }
0x45: {  	_ =	shalt  }
0x46: {  	_ =	shalt  }
0x47: {  	_ =	shalt  }
0x48: {  	_ =	shalt  }
0x49: {  	_ =	shalt  }
0x4a: {  	_ =	shalt  }
0x4b: {  	_ =	shalt  }
0x4c: {  	_ =	shalt  }
0x4d: {  	_ =	shalt  }
0x4e: {  	_ =	shalt  }
0x4f: {  	_ =	shalt  }
0x50: {  	_ =	shalt  }
0x51: {  	_ =	shalt  }
0x52: {  	_ =	shalt  }
0x53: {  	_ =	shalt  }
0x54: {  	_ =	shalt  }
0x55: {  	_ =	shalt  }
0x56: {  	_ =	shalt  }
0x57: {  	_ =	shalt  }
0x58: {  	_ =	shalt  }
0x59: {  	_ =	shalt  }
0x5a: {  	_ =	shalt  }
0x5b: {  	_ =	shalt  }
0x5c: {  	_ =	shalt  }
0x5d: {  	_ =	shalt  }
0x5e: {  	_ =	shalt  }
0x5f: {  	_ =	shalt  }
0x60: {  	_ =	shalt  }
0x61: {  	_ =	shalt  }
0x62: {  	_ =	shalt  }
0x63: {  	_ =	shalt  }
0x64: {  	_ =	shalt  }
0x65: {  	_ =	shalt  }
0x66: {  	_ =	shalt  }
0x67: {  	_ =	shalt  }
0x68: {  	_ =	shalt  }
0x69: {  	_ =	shalt  }
0x6a: {  	_ =	shalt  }
0x6b: {  	_ =	shalt  }
0x6c: {  	_ =	shalt  }
0x6d: {  	_ =	shalt  }
0x6e: {  	_ =	shalt  }
0x6f: {  	_ =	shalt  }
0x70: {  	_ =	shalt  }
0x71: {  	_ =	shalt  }
0x72: {  	_ =	shalt  }
0x73: {  	_ =	shalt  }
0x74: {  	_ =	shalt  }
0x75: {  	_ =	shalt  }
0x76: {  	_ =	shalt  }
0x77: {  	_ =	shalt  }
0x78: {  	_ =	shalt  }
0x79: {  	_ =	shalt  }
0x7a: {  	_ =	shalt  }
0x7b: {  	_ =	shalt  }
0x7c: {  	_ =	shalt  }
0x7d: {  	_ =	shalt  }
0x7e: {  	_ =	shalt  }
0x7f: {  	_ =	shalt  }
0x80: {  	_ =	shalt  }
0x81: {  	_ =	shalt  }
0x82: {  	_ =	shalt  }
0x83: {  	_ =	shalt  }
0x84: {  	_ =	shalt  }
0x85: {  	_ =	shalt  }
0x86: {  	_ =	shalt  }
0x87: {  	_ =	shalt  }
.Lfunc_end0:
.L_simem_size_0:
called_computation_lowered:
.L_overlay_start_0:
0x88: {  	s2 =	sld [smem:$0x3FD9]  }
0x89: {  	s3 =	sld [smem:$0x3FFE];
	_ =	sdelay $0x1  }
0x8a: {  	s1 =	srdreg.scid  }
0x8b: {  	s0 =	sand.u32 $0x1, s1  }
0x8c: {  	s14 =	sshll.u32 s0, $0xA;
	s2 =	sadd.s32 s3, s2  }
0x8d: {  	s2 =	sadd.s32 s2, s14  }
0x8e: {  	[smem:$0x3FB5] =	sst s2  }
0x8f: {  	_ = 	snop  }
0x90: {  	s2 =	sld [smem:$0x3FD0];
	_ =	sdelay $0x2  }
0x91: {  	s15 =	simm.s32 $0xA;
	s4 =	simm.s32 $0x10  }
0x92: {  	[smem:s4], [sflag:s15] =	dma.local [hbm:s2], $0x1  }
0x93: {  	_ =	swait.eq [sflag:s15], $0x1  }
0x94: {  	[sflag:s15] =	ssyncset.done $0x0  }
0x95: {  	s16 =	sld [smem:$0x10];
	[sflag:s15] =	ssyncadd.s32 $0xFFFFFFFF  }
0x96: {  	s17 =	sld [smem:$0x11];
	(tm) =	ssettm $0x1  }
0x97: {  	s18 =	sld [smem:$0x3FFB];
	_ =	sdelay $0x3  }
0x98: {  	_ =	strace s18  }
0x99: {  	s4 =	sld [smem:$0x3FFC];
	_ =	sdelay $0x3  }
0x9a: {  	_ =	strace s4  }
0x9b: {  	s4 =	sld [smem:$0x3FFD];
	_ =	sdelay $0x3  }
0x9c: {  	_ =	strace s4  }
0x9d: {  	_ =	strace $0x8FFFFFFF  }
0x9e: {  	s19 =	sld [smem:$0x3FDB];
	_ =	sdelay $0x1  }
0x9f: {  	s5 =	simm.s32 $_scs_section_size  }
0xa0: {  	s6 =	simm.s32 $_size__tile_overlayer_lowered;
	s7 =	simm.s32 $_tile_overlayer_lowered  }
0xa1: {  	s22 =	simm.s32 $0x1BFF;
	s21 =	sshll.u32 s7, $0x1;
	s4 =	sadd.s32 s5, s19  }
0xa2: {  	s8 =	simm.s32 $0x0;
	s20 =	sshll.u32 s6, $0x1;
	s6 =	sadd.s32 s21, s4  }
0xa3: {  	[timem:s8], [sflag:s22] =	dma.local [hbm:s6], s20  }
0xa4: {  	_ =	swait.ge [sflag:s22], s20  }
0xa5: {  	s5 =	ssub.s32 $0x0, s20;
	[sflag:s22] =	ssyncset.done $0x0  }
0xa6: {  	[sflag:s22] =	ssyncadd.s32 s5;
	_ =	sdelay $0x1  }
0xa7: {  	s23 =	simm.s32 $0x1B8B  }
0xa8: {  	_ =	swait.ge [sflag:s23], $0x1  }
0xa9: {  	[sflag:s23] =	ssyncset.done $0x0  }
0xaa: {  	s25 =	simm.s32 $0x1B8E;
	s24 =	sld [smem:$0x3FFE];
	[sflag:s23] =	ssyncadd.s32 $0xFFFFFFFF  }
0xab: {  	s26 =	simm.s32 $execute0_lowered;
	[smem:$0x3FD2] =	sst s25  }
0xac: {  	s6 =	sshll.u32 s26, $0x1;
	_ =	strace $0x80000046;
	[dreg:$0x1] =	wrdreg $0xFFFFFFFF  }
0xad: {  	s28 =	simm.s32 $_size_execute0_lowered;
	s4 =	sadd.s32 s4, s6;
	[dreg:$0x0] =	wrdreg $0x0  }
0xae: {  	s6 =	sshll.u32 s28, $0x1;
	[dreg:$0x2] =	wrdreg s4  }
0xaf: {  	[dreg:$0x3] =	wrdreg s6  }
0xb0: {  	[dreg:$0x4] =	wrdreg $0xC0  }
0xb1: {  	_ =	task [dreg:s8], $0x5FFFF  }
0xb2: {  	[dreg:$0x1] =	wrdreg $0xFFFFFFFF  }
0xb3: {  	[dreg:$0x0] =	wrdreg $0x60  }
0xb4: {  	[dreg:$0x2] =	wrdreg s17  }
0xb5: {  	[dreg:$0x3] =	wrdreg s16  }
0xb6: {  	[dreg:$0x4] =	wrdreg s24  }
0xb7: {  	[dreg:$0x5] =	wrdreg $0x9  }
0xb8: {  	_ =	task.clear_ibuf [dreg:s8], $0x6FFFF;
	_ =	strace $0x90000046  }
0xb9: {  	s29 =	simm.s32 $0x9;
	_ =	strace $0x80000048  }
0xba: {  	_ =	swait.ge [sflag:s29], $0x1  }
0xbb: {  	[sflag:s29] =	ssyncadd.s32 $0xFFFFFFFF  }
0xbc: {  	_ =	strace $0x90000048  }
0xbd: {  	_ =	sfence  }
0xbe: {  	s30 =	sld [smem:$0x0];
	_ =	sdelay $0x2  }
0xbf: {  	s31 =	sshll.u32 s1, $0xD;
	s1 =	sshrl.u32 s1, $0x2  }
0xc0: {  	s3 =	sand.u32 $0x4000, s31;
	s1 =	sadd.s32 s1, s30  }
0xc1: {  	s0 =	sor.u32 s3, s0;
	s1 =	sshll.u32 s1, $0x11  }
0xc2: {  	s0 =	sor.u32 s1, s0  }
0xc3: {  	s0 =	sadd.s32 $0x8F2B, s0  }
0xc4: {  	[sflag:s0] =	ssyncadd.remote.s32 $0x1  }
0xc5: {  	_ =	sfence.sel $0xFFFF  }
0xc6: {  	[dreg:$0x0] =	wrdreg $0xFFFFFFFF;
	(pc) =	sbr.abs _section_cstart, $3  }
0xc7: {  	[dreg:$0x1] =	wrdreg $0xFFFFFFFF  }
0xc8: {  	_ =	task.clear_ibuf [dreg:s8], $0x2FFFF;
	_ =	strace $0x9FFFFFFF  }
0xc9: {  	(tm) =	ssettm $0x7FFFFFFF  }
tec
execute0_lowered:
.L_overlay_start_1:
0x0: {  	(tag) =	ssettag $0x1  }
0x1: {  	s3 =	rddreg [dreg:$0x0]  }
0x2: {  	s4 =	rddreg [dreg:$0x1]  }
0x3: {  	s5 =	rddreg [dreg:$0x2]  }
0x4: {  	s0 =	rddreg [dreg:$0x3];
	s2 =	simm.s32 $0x0;
	s6 =	srdreg.scid  }
0x5: {  	s1 =	stileid.u32;
	s10 =	simm.s32 $0x2000;
	s11 =	simm.s32 $0x3000  }
0x6: {  	s12 =	simm.s32 $0x0;
	[smem:$0x7FF] =	sst s2;
	s6 =	sand.u32 $0x1, s6  }
0x7: {  	s7 =	sshll.u32 s1, $0xA;
	s8 =	sshll.u32 s6, $0x9;
	s6 =	ssub.s32 $0x2, s6  }
0x8: {  	_ =	strace $0x80000047;
	s7 =	sor.u32 s8, s7;
	s31 =	sshrl.u32 s6, $0x1  }
0x9: {  	s9 =	sadd.s32 s7, s5;
	s8 =	ssub.s32 s6, s31;
	s3 =	sadd.s32 s3, s7  }
0xa: {  	s4 =	sadd.s32 s4, s7;
	s5 =	sadd.s32 $0x3A00, s9;
	s6 =	sadd.s32 $0x7A00, s9  }
0xb: {  	v0 =	vimm.f32 $0.0e+00;
	s7 =	smax.u32 s8, $0x1;
	s8 =	simm.s32 $0x1;
	s9 =	simm.s32 $0x1000  }
.LBB2_1:
0xc: {  	[tilespmem:s2], [sflag:$0x1] =	stream.linear.gather [hbm4b:s3+s2], $0x1000, $0x38;
	[tilespmem:$0x4000] =	vst v63  }
0xd: {  	_ =	swait.ge [sflag:s8], $0x1000  }
0xe: {  	[sflag:s8] =	ssyncset.done $0x0  }
0xf: {  	[sflag:s8] =	ssyncadd.s32 $0xFFFFF000  }
0x10: {  	[tilespmem:s9], [sflag:$0x1] =	stream.linear.gather [hbm4b:s4+s2], $0x1000, $0x38;
	[tilespmem:$0x4000] =	vst v63  }
0x11: {  	_ =	swait.ge [sflag:s8], $0x1000  }
0x12: {  	s13 =	sand.u32 $0x70, s2;
	s14 =	sand.u32 $0xC00, s2;
	[sflag:s8] =	ssyncset.done $0x0  }
0x13: {  	s15 =	sor.u32 s13, s14;
	[sflag:s8] =	ssyncadd.s32 $0xFFFFF000  }
0x14: {  	v1 =	vld [tilespmem:s15+$0x0]  }
0x15: {  	s30 =	sor.u32 s14, s2;
	v2 =	vld [tilespmem:s15+$0x80]  }
0x16: {  	s14 =	sor.u32 $0x180, s30;
	v3 =	vld [tilespmem:s15+$0x100]  }
0x17: {  	v4 =	vld [tilespmem:s14+$0x0]  }
0x18: {  	v5 =	vld [tilespmem:s15+$0x200]  }
0x19: {  	s31 =	sor.u32 s2, s2;
	v6 =	vld [tilespmem:s15+$0x280]  }
0x1a: {  	s13 =	sor.u32 $0x380, s31;
	v7 =	vld [tilespmem:s15+$0x300];
	v8 =	vmax.f32 v1, v2  }
0x1b: {  	v9 =	vld [tilespmem:s13+$0x0];
	v8 =	vmax.f32 v8, v3  }
0x1c: {  	v8 =	vmax.f32 v8, v4  }
0x1d: {  	v8 =	vmax.f32 v8, v5  }
0x1e: {  	v8 =	vmax.f32 v8, v6  }
0x1f: {  	v8 =	vmax.f32 v8, v7  }
0x20: {  	v8 =	vmax.f32 v8, v9  }
0x21: {  	vm0 =	veq.f32 v1, v8  }
0x22: {  	v10 =	vsel vm0, $0x3F800000, v0  }
0x23: {  	v12 =	vsub.f32 $1.000000000e+00, v10  }
0x24: {  	v11 =	vsub.f32 v3, v8;
	vm11 =	veq.f32 v2, v8;
	v13 =	vsub.f32 v1, v8  }
0x25: {  	v14 =	vsub.f32 v2, v8;
	vm12 =	veq.f32 v4, v8;
	v15 =	vnsel vm11, $0x0, v12  }
0x26: {  	vm1 =	veq.f32 v3, v8;
	v46 =	vsub.f32 v4, v8;
	v12 =	vsub.f32 v12, v15  }
0x27: {  	v16 =	vsub.f32 v5, v8;
	v48 =	vsub.f32 v6, v8;
	v11 =	vmul.f32 $1.442695020e+00, v11  }
0x28: {  	vm13 =	veq.f32 v5, v8;
	v13 =	vmul.f32 $1.442695020e+00, v13;
	v47 =	vnsel vm1, $0x0, v12  }
0x29: {  	v14 =	vmul.f32 $1.442695020e+00, v14;
	(erf) = vpow2.f32 v11;
	v12 =	vsub.f32 v12, v47  }
0x2a: {  	v19 =	vsub.f32 v7, v8;
	v49 =	vsub.f32 v9, v8;
	(erf) = vpow2.f32 v13  }
0x2b: {  	vm14 =	veq.f32 v6, v8;
	(erf) = vpow2.f32 v14;
	v18 =	vnsel vm12, $0x0, v12  }
0x2c: {  	vm15 =	veq.f32 v7, v8;
	v16 =	vmul.f32 $1.442695020e+00, v16;
	v12 =	vsub.f32 v12, v18  }
0x2d: {  	vm4 =	veq.f32 v9, v8;
	v52 =	vmul.f32 $1.442695020e+00, v19;
	v11 =	vmul.f32 $1.442695020e+00, v46  }
0x2e: {  	v55 =	vmul.f32 $3.000000010e+38, v10;
	v17 =	vmul.f32 $3.000000010e+38, v15;
	v50 =	vnsel vm13, $0x0, v12  }
0x2f: {  	(erf) = vpow2.f32 v11;
	v20 =	vmul.f32 $3.000000010e+38, v47;
	v12 =	vsub.f32 v12, v50  }
0x30: {  	v1 =	vsub.f32 v1, v55;
	v14 =	vmul.f32 $1.442695020e+00, v48;
	v2 =	vsub.f32 v2, v17  }
0x31: {  	(erf) = vpow2.f32 v16;
	v3 =	vsub.f32 v3, v20;
	v22 =	vnsel vm14, $0x0, v12  }
0x32: {  	v59 =	vmax.f32 v1, v2;
	v51 =	vmul.f32 $3.000000010e+38, v18;
	v53 =	vpop (erf);
	v12 =	vsub.f32 v12, v22  }
0x33: {  	v17 =	vmul.f32 $1.442695020e+00, v49;
	v8 =	vmax.f32 v59, v3;
	(erf) = vpow2.f32 v14;
	v21 =	vpop (erf)  }
0x34: {  	v4 =	vsub.f32 v4, v51;
	v54 =	vmul.f32 $3.000000010e+38, v50;
	v23 =	vpop (erf);
	v57 =	vnsel vm15, $0x0, v12  }
0x35: {  	(erf) = vpow2.f32 v52;
	v56 =	vadd.f32 v23, v21;
	v12 =	vsub.f32 v12, v57  }
0x36: {  	(erf) = vpow2.f32 v17;
	v5 =	vsub.f32 v5, v54;
	v58 =	vmul.f32 $3.000000010e+38, v22  }
0x37: {  	v16 =	vadd.f32 v56, v53;
	v60 =	vmul.f32 $3.000000010e+38, v57;
	v12 =	vnsel vm4, $0x0, v12  }
0x38: {  	v8 =	vmax.f32 v8, v4;
	v61 =	vpop (erf);
	v6 =	vsub.f32 v6, v58;
	v24 =	vmul.f32 $3.000000010e+38, v12  }
0x39: {  	v8 =	vmax.f32 v8, v5;
	v16 =	vadd.f32 v16, v61;
	v7 =	vsub.f32 v7, v60  }
0x3a: {  	v62 =	vpop (erf);
	v8 =	vmax.f32 v8, v6;
	v9 =	vsub.f32 v9, v24  }
0x3b: {  	v16 =	vadd.f32 v16, v62;
	v8 =	vmax.f32 v8, v7  }
0x3c: {  	v63 =	vpop (erf);
	v8 =	vmax.f32 v8, v9  }
0x3d: {  	v16 =	vadd.f32 v16, v63;
	vm5 =	veq.f32 v1, v8  }
0x3e: {  	v1 =	vpop (erf);
	v25 =	vsel vm5, $0x3F800000, v0  }
0x3f: {  	v16 =	vadd.f32 v16, v1;
	v26 =	vsub.f32 $1.000000000e+00, v25  }
0x40: {  	vm6 =	veq.f32 v2, v8;
	v27 =	vpop (erf)  }
0x41: {  	v2 =	vadd.f32 v16, v27;
	v30 =	vnsel vm6, $0x0, v26  }
0x42: {  	v26 =	vsub.f32 v26, v30  }
0x43: {  	vm7 =	veq.f32 v3, v8;
	(erf) = vrcp.f32 v2  }
0x44: {  	v2 =	vnsel vm7, $0x0, v26  }
0x45: {  	v3 =	vsub.f32 v26, v2  }
0x46: {  	vm8 =	veq.f32 v4, v8  }
0x47: {  	v4 =	vnsel vm8, $0x0, v3  }
0x48: {  	v3 =	vsub.f32 v3, v4  }
0x49: {  	vm9 =	veq.f32 v5, v8  }
0x4a: {  	vm10 =	veq.f32 v6, v8;
	v5 =	vnsel vm9, $0x0, v3  }
0x4b: {  	vm11 =	veq.f32 v7, v8;
	v31 =	vadd.f32 v25, v10;
	v3 =	vsub.f32 v3, v5  }
0x4c: {  	vm2 =	veq.f32 v9, v8;
	v32 =	vadd.f32 v30, v15;
	v2 =	vadd.f32 v2, v47;
	v33 =	vpop (erf)  }
0x4d: {  	v4 =	vadd.f32 v4, v18;
	v35 =	vmul.f32 v33, v53;
	v36 =	vnsel vm10, $0x0, v3  }
0x4e: {  	v34 =	vmul.f32 v33, v21;
	v38 =	vmul.f32 v33, v23;
	v3 =	vsub.f32 v3, v36  }
0x4f: {  	v5 =	vadd.f32 v5, v50;
	v37 =	vmul.f32 v33, v61;
	v2 =	vmul.f32 v2, v35  }
0x50: {  	v42 =	vmul.f32 v33, v63;
	v7 =	vmul.f32 v32, v38;
	v39 =	vnsel vm11, $0x0, v3  }
0x51: {  	v6 =	vmul.f32 v31, v34;
	v41 =	vadd.f32 v36, v22;
	[tilespmem:s15+$0x2100] =	vst v2;
	v3 =	vsub.f32 v3, v39  }
0x52: {  	v1 =	vmul.f32 v33, v1;
	v4 =	vmul.f32 v4, v37;
	[tilespmem:s15+$0x2080] =	vst v7;
	v2 =	vadd.f32 v39, v57  }
0x53: {  	v40 =	vmul.f32 v33, v62;
	[tilespmem:s15+$0x2000] =	vst v6;
	v44 =	vmul.f32 v41, v42;
	v3 =	vnsel vm2, $0x0, v3  }
0x54: {  	v43 =	vmul.f32 v33, v27;
	[tilespmem:s14+$0x2000] =	vst v4;
	v1 =	vmul.f32 v2, v1;
	v3 =	vadd.f32 v3, v12  }
0x55: {  	[tilespmem:s15+$0x2280] =	vst v44;
	v2 =	vmul.f32 v5, v40  }
0x56: {  	[tilespmem:s15+$0x2300] =	vst v1;
	v1 =	vmul.f32 v3, v43  }
0x57: {  	[tilespmem:s15+$0x2200] =	vst v2  }
0x58: {  	[tilespmem:s13+$0x2000] =	vst v1  }
0x59: {  	v1 =	vld [tilespmem:s15+$0x1000]  }
0x5a: {  	v2 =	vld [tilespmem:s15+$0x1080]  }
0x5b: {  	v3 =	vld [tilespmem:s15+$0x1100]  }
0x5c: {  	v45 =	vld [tilespmem:s14+$0x1000]  }
0x5d: {  	v46 =	vld [tilespmem:s15+$0x1200]  }
0x5e: {  	v47 =	vld [tilespmem:s15+$0x1280]  }
0x5f: {  	v48 =	vld [tilespmem:s15+$0x1300];
	v49 =	vmax.f32 v1, v2  }
0x60: {  	v50 =	vld [tilespmem:s13+$0x1000];
	v8 =	vmax.f32 v49, v3  }
0x61: {  	v8 =	vmax.f32 v8, v45  }
0x62: {  	v8 =	vmax.f32 v8, v46  }
0x63: {  	v8 =	vmax.f32 v8, v47  }
0x64: {  	v8 =	vmax.f32 v8, v48  }
0x65: {  	v8 =	vmax.f32 v8, v50  }
0x66: {  	vm12 =	veq.f32 v1, v8  }
0x67: {  	v51 =	vsub.f32 v45, v8;
	v11 =	vsel vm12, $0x3F800000, v0  }
0x68: {  	v52 =	vsub.f32 v3, v8;
	v53 =	vsub.f32 $1.000000000e+00, v11  }
0x69: {  	vm13 =	veq.f32 v2, v8;
	v54 =	vsub.f32 v2, v8;
	v10 =	vmul.f32 $1.442695020e+00, v51  }
0x6a: {  	v55 =	vsub.f32 v1, v8;
	v12 =	vmul.f32 $1.442695020e+00, v52;
	v56 =	vnsel vm13, $0x0, v53  }
0x6b: {  	v14 =	vmul.f32 $1.442695020e+00, v54;
	(erf) = vpow2.f32 v10;
	v57 =	vsub.f32 v53, v56  }
0x6c: {  	vm14 =	veq.f32 v3, v8;
	v58 =	vmul.f32 $1.442695020e+00, v55;
	(erf) = vpow2.f32 v12  }
0x6d: {  	(erf) = vpow2.f32 v14;
	v60 =	vnsel vm14, $0x0, v57  }
0x6e: {  	v59 =	vsub.f32 v46, v8;
	(erf) = vpow2.f32 v58;
	v10 =	vsub.f32 v57, v60  }
0x6f: {  	vm15 =	veq.f32 v45, v8;
	v61 =	vsub.f32 v47, v8;
	vm4 =	veq.f32 v46, v8  }
0x70: {  	v27 =	vsub.f32 v48, v8;
	v29 =	vsub.f32 v50, v8;
	v63 =	vnsel vm15, $0x0, v10  }
0x71: {  	vm5 =	veq.f32 v47, v8;
	vm6 =	veq.f32 v48, v8;
	v10 =	vsub.f32 v10, v63  }
0x72: {  	vm7 =	veq.f32 v50, v8;
	v13 =	vmul.f32 $1.442695020e+00, v61;
	v12 =	vmul.f32 $1.442695020e+00, v59  }
0x73: {  	v35 =	vmul.f32 $3.000000010e+38, v11;
	v28 =	vmul.f32 $3.000000010e+38, v56;
	v31 =	vnsel vm4, $0x0, v10  }
0x74: {  	v18 =	vmul.f32 $1.442695020e+00, v27;
	v32 =	vpop (erf);
	(erf) = vpow2.f32 v12;
	v10 =	vsub.f32 v10, v31  }
0x75: {  	v1 =	vsub.f32 v1, v35;
	v2 =	vsub.f32 v2, v28;
	v62 =	vmul.f32 $3.000000010e+38, v60;
	v34 =	vpop (erf)  }
0x76: {  	v33 =	vmul.f32 $1.442695020e+00, v29;
	(erf) = vpow2.f32 v13;
	v36 =	vpop (erf);
	v37 =	vnsel vm5, $0x0, v10  }
0x77: {  	v44 =	vmax.f32 v1, v2;
	v3 =	vsub.f32 v3, v62;
	v39 =	vpop (erf);
	v10 =	vsub.f32 v10, v37  }
0x78: {  	v30 =	vmul.f32 $3.000000010e+38, v63;
	(erf) = vpow2.f32 v18;
	v40 =	vadd.f32 v36, v39  }
0x79: {  	v23 =	vmax.f32 v44, v3;
	v38 =	vmul.f32 $3.000000010e+38, v31;
	v41 =	vnsel vm6, $0x0, v10  }
0x7a: {  	(erf) = vpow2.f32 v33;
	v8 =	vadd.f32 v40, v34;
	v10 =	vsub.f32 v10, v41  }
0x7b: {  	v4 =	vsub.f32 v45, v30;
	v5 =	vsub.f32 v46, v38;
	v42 =	vmul.f32 $3.000000010e+38, v37  }
0x7c: {  	v43 =	vmul.f32 $3.000000010e+38, v41;
	v8 =	vadd.f32 v8, v32;
	v10 =	vnsel vm7, $0x0, v10  }
0x7d: {  	v23 =	vmax.f32 v23, v4;
	v6 =	vsub.f32 v47, v42;
	v45 =	vpop (erf);
	v46 =	vmul.f32 $3.000000010e+38, v10  }
0x7e: {  	v47 =	vmax.f32 v23, v5;
	v7 =	vsub.f32 v48, v43;
	v8 =	vadd.f32 v8, v45  }
0x7f: {  	v20 =	vmax.f32 v47, v6;
	v48 =	vpop (erf);
	v9 =	vsub.f32 v50, v46  }
0x80: {  	v20 =	vmax.f32 v20, v7;
	v8 =	vadd.f32 v8, v48  }
0x81: {  	v49 =	vpop (erf);
	v20 =	vmax.f32 v20, v9  }
0x82: {  	v8 =	vadd.f32 v8, v49;
	vm8 =	veq.f32 v1, v20  }
0x83: {  	v50 =	vpop (erf);
	v1 =	vsel vm8, $0x3F800000, v0  }
0x84: {  	v8 =	vadd.f32 v8, v50;
	v51 =	vsub.f32 $1.000000000e+00, v1  }
0x85: {  	vm9 =	veq.f32 v2, v20  }
0x86: {  	(erf) = vrcp.f32 v8;
	v2 =	vnsel vm9, $0x0, v51  }
0x87: {  	v52 =	vsub.f32 v51, v2  }
0x88: {  	vm10 =	veq.f32 v3, v20  }
0x89: {  	v3 =	vnsel vm10, $0x0, v52  }
0x8a: {  	v8 =	vsub.f32 v52, v3  }
0x8b: {  	vm11 =	veq.f32 v4, v20  }
0x8c: {  	v4 =	vnsel vm11, $0x0, v8  }
0x8d: {  	v8 =	vsub.f32 v8, v4  }
0x8e: {  	vm12 =	veq.f32 v5, v20;
	vm13 =	veq.f32 v6, v20;
	vm14 =	veq.f32 v7, v20  }
0x8f: {  	v1 =	vadd.f32 v1, v11;
	v2 =	vadd.f32 v2, v56;
	v53 =	vpop (erf);
	v54 =	vnsel vm12, $0x0, v8  }
0x90: {  	v3 =	vadd.f32 v3, v60;
	v55 =	vmul.f32 v53, v39;
	v8 =	vsub.f32 v8, v54  }
0x91: {  	v4 =	vadd.f32 v4, v63;
	v56 =	vmul.f32 v53, v36;
	v57 =	vmul.f32 v53, v34  }
0x92: {  	v58 =	vmul.f32 v53, v32;
	v1 =	vmul.f32 v1, v55;
	v59 =	vnsel vm13, $0x0, v8  }
0x93: {  	v60 =	vmul.f32 v53, v48;
	v2 =	vmul.f32 v2, v56;
	v8 =	vsub.f32 v8, v59  }
0x94: {  	v61 =	vmul.f32 v53, v45;
	v6 =	vadd.f32 v54, v31;
	v3 =	vmul.f32 v3, v57;
	[tilespmem:s15+$0x3000] =	vst v1  }
0x95: {  	v1 =	vadd.f32 v59, v37;
	[tilespmem:s15+$0x3080] =	vst v2;
	v2 =	vmul.f32 v4, v58;
	v62 =	vnsel vm14, $0x0, v8  }
0x96: {  	v63 =	vmul.f32 v53, v49;
	v6 =	vmul.f32 v6, v61;
	[tilespmem:s15+$0x3100] =	vst v3;
	v3 =	vadd.f32 v62, v41  }
0x97: {  	v1 =	vmul.f32 v1, v60;
	[tilespmem:s14+$0x3000] =	vst v2;
	v4 =	vsub.f32 v8, v62  }
0x98: {  	vm15 =	veq.f32 v9, v20;
	[tilespmem:s15+$0x3200] =	vst v6;
	v2 =	vmul.f32 v3, v63  }
0x99: {  	[tilespmem:s15+$0x3280] =	vst v1;
	v1 =	vnsel vm15, $0x0, v4  }
0x9a: {  	s14 =	simm.s32 $0x10;
	v1 =	vadd.f32 v1, v10;
	[tilespmem:s15+$0x3300] =	vst v2;
	v2 =	vmul.f32 v53, v50;
	s15 =	simm.s32 $0x0  }
.LBB2_2:
0x9b: {  	p0 =	sne.s32 s14, $0x1F0  }
0x9c: {  	s15 =	sadd.s32 $0x80, s15;
	s18 =	smov.u32 s14;
	s14 =	sadd.s32 $0x10, s14  }
0x9d: {  	v1 =	vmul.f32 v1, v2  }
0x9e: {  	s16 =	sand.u32 $0x70, s18;
	s17 =	sand.u32 $0xC00, s15  }
0x9f: {  	s16 =	sor.u32 s16, s17;
	s17 =	sor.u32 s17, s18;
	[tilespmem:s13+$0x3000] =	vst v1  }
0xa0: {  	s17 =	sor.u32 $0x180, s17;
	v1 =	vld [tilespmem:s16+$0x0]  }
0xa1: {  	v2 =	vld [tilespmem:s16+$0x80]  }
0xa2: {  	v3 =	vld [tilespmem:s16+$0x100]  }
0xa3: {  	v4 =	vld [tilespmem:s17+$0x0]  }
0xa4: {  	v5 =	vld [tilespmem:s16+$0x200]  }
0xa5: {  	s13 =	sor.u32 s15, s18;
	v6 =	vld [tilespmem:s16+$0x280]  }
0xa6: {  	s13 =	sor.u32 $0x380, s13;
	v7 =	vld [tilespmem:s16+$0x300];
	v8 =	vmax.f32 v1, v2  }
0xa7: {  	v9 =	vld [tilespmem:s13+$0x0];
	v8 =	vmax.f32 v8, v3  }
0xa8: {  	v8 =	vmax.f32 v8, v4  }
0xa9: {  	v8 =	vmax.f32 v8, v5  }
0xaa: {  	v8 =	vmax.f32 v8, v6  }
0xab: {  	v8 =	vmax.f32 v8, v7  }
0xac: {  	v8 =	vmax.f32 v8, v9  }
0xad: {  	v10 =	vsub.f32 v3, v8;
	vm0 =	veq.f32 v1, v8;
	vm1 =	veq.f32 v2, v8  }
0xae: {  	v11 =	vsub.f32 v1, v8;
	v12 =	vsub.f32 v2, v8;
	v13 =	vsel vm0, $0x3F800000, v0  }
0xaf: {  	vm0 =	veq.f32 v4, v8;
	v10 =	vmul.f32 $1.442695020e+00, v10;
	v14 =	vsub.f32 $1.000000000e+00, v13  }
0xb0: {  	v15 =	vsub.f32 v4, v8;
	v11 =	vmul.f32 $1.442695020e+00, v11;
	v12 =	vmul.f32 $1.442695020e+00, v12  }
0xb1: {  	v16 =	vnsel vm1, $0x0, v14;
	vm1 =	veq.f32 v3, v8;
	(erf) = vpow2.f32 v10  }
0xb2: {  	v10 =	vmul.f32 $1.442695020e+00, v15;
	v14 =	vsub.f32 v14, v16;
	(erf) = vpow2.f32 v11  }
0xb3: {  	v15 =	vsub.f32 v6, v8;
	v11 =	vsub.f32 v5, v8;
	(erf) = vpow2.f32 v12  }
0xb4: {  	v17 =	vmul.f32 $3.000000010e+38, v16;
	v12 =	vnsel vm1, $0x0, v14;
	vm1 =	veq.f32 v5, v8  }
0xb5: {  	v15 =	vmul.f32 $1.442695020e+00, v15;
	v11 =	vmul.f32 $1.442695020e+00, v11;
	v14 =	vsub.f32 v14, v12  }
0xb6: {  	v18 =	vsub.f32 v7, v8;
	v2 =	vsub.f32 v2, v17;
	v17 =	vmul.f32 $3.000000010e+38, v12  }
0xb7: {  	v19 =	vsub.f32 v9, v8;
	v20 =	vnsel vm0, $0x0, v14;
	(erf) = vpow2.f32 v10  }
0xb8: {  	v3 =	vsub.f32 v3, v17;
	v10 =	vsub.f32 v14, v20;
	v22 =	vmul.f32 $3.000000010e+38, v20  }
0xb9: {  	v17 =	vmul.f32 $1.442695020e+00, v19;
	vm0 =	veq.f32 v6, v8;
	(erf) = vpow2.f32 v11  }
0xba: {  	v11 =	vmul.f32 $1.442695020e+00, v18;
	v18 =	vnsel vm1, $0x0, v10;
	v4 =	vsub.f32 v4, v22;
	v14 =	vpop (erf)  }
0xbb: {  	v10 =	vsub.f32 v10, v18;
	v19 =	vmul.f32 $3.000000010e+38, v18;
	v21 =	vpop (erf);
	(erf) = vpow2.f32 v15  }
0xbc: {  	vm1 =	veq.f32 v7, v8;
	v15 =	vmul.f32 $3.000000010e+38, v13;
	v22 =	vpop (erf);
	(erf) = vpow2.f32 v11  }
0xbd: {  	v11 =	vadd.f32 v22, v21;
	v23 =	vnsel vm0, $0x0, v10;
	v5 =	vsub.f32 v5, v19  }
0xbe: {  	v1 =	vsub.f32 v1, v15;
	v10 =	vsub.f32 v10, v23;
	v15 =	vmul.f32 $3.000000010e+38, v23  }
0xbf: {  	vm0 =	veq.f32 v9, v8;
	v11 =	vadd.f32 v11, v14;
	(erf) = vpow2.f32 v17  }
0xc0: {  	v8 =	vnsel vm1, $0x0, v10;
	v6 =	vsub.f32 v6, v15;
	v15 =	vmax.f32 v1, v2;
	v17 =	vpop (erf)  }
0xc1: {  	v11 =	vadd.f32 v11, v17;
	v10 =	vsub.f32 v10, v8;
	v19 =	vmul.f32 $3.000000010e+38, v8  }
0xc2: {  	v15 =	vmax.f32 v15, v3;
	v24 =	vpop (erf)  }
0xc3: {  	v11 =	vadd.f32 v11, v24;
	v10 =	vnsel vm0, $0x0, v10;
	v7 =	vsub.f32 v7, v19  }
0xc4: {  	v15 =	vmax.f32 v15, v4;
	v19 =	vmul.f32 $3.000000010e+38, v10;
	v25 =	vpop (erf)  }
0xc5: {  	v15 =	vmax.f32 v15, v5;
	v11 =	vadd.f32 v11, v25;
	v26 =	vpop (erf)  }
0xc6: {  	v15 =	vmax.f32 v15, v6;
	v9 =	vsub.f32 v9, v19  }
0xc7: {  	v15 =	vmax.f32 v15, v7;
	v11 =	vadd.f32 v11, v26  }
0xc8: {  	v15 =	vmax.f32 v15, v9;
	v19 =	vpop (erf)  }
0xc9: {  	v11 =	vadd.f32 v11, v19;
	vm0 =	veq.f32 v1, v15;
	vm4 =	veq.f32 v4, v15  }
0xca: {  	vm3 =	veq.f32 v5, v15;
	vm2 =	veq.f32 v6, v15;
	v1 =	vsel vm0, $0x3F800000, v0  }
0xcb: {  	v4 =	vsub.f32 $1.000000000e+00, v1;
	v1 =	vadd.f32 v1, v13;
	(erf) = vrcp.f32 v11  }
0xcc: {  	vm5 =	veq.f32 v2, v15;
	vm1 =	veq.f32 v7, v15;
	vm0 =	veq.f32 v9, v15  }
0xcd: {  	v2 =	vnsel vm5, $0x0, v4  }
0xce: {  	v4 =	vsub.f32 v4, v2;
	v2 =	vadd.f32 v2, v16  }
0xcf: {  	vm5 =	veq.f32 v3, v15  }
0xd0: {  	v3 =	vnsel vm5, $0x0, v4  }
0xd1: {  	v4 =	vsub.f32 v4, v3;
	v3 =	vadd.f32 v3, v12;
	_ =	sdelay $0x1  }
0xd2: {  	v5 =	vnsel vm4, $0x0, v4  }
0xd3: {  	v4 =	vsub.f32 v4, v5;
	v5 =	vadd.f32 v5, v20;
	v6 =	vpop (erf)  }
0xd4: {  	v7 =	vmul.f32 v6, v21;
	v9 =	vmul.f32 v6, v17  }
0xd5: {  	v12 =	vmul.f32 v6, v22;
	v13 =	vmul.f32 v6, v14;
	v11 =	vnsel vm3, $0x0, v4  }
0xd6: {  	v4 =	vsub.f32 v4, v11;
	v1 =	vmul.f32 v1, v7;
	v7 =	vadd.f32 v11, v18  }
0xd7: {  	v2 =	vmul.f32 v2, v12;
	v3 =	vmul.f32 v3, v13  }
0xd8: {  	v12 =	vmul.f32 v6, v24;
	v11 =	vnsel vm2, $0x0, v4  }
0xd9: {  	v13 =	vmul.f32 v6, v25;
	v4 =	vsub.f32 v4, v11;
	v11 =	vadd.f32 v11, v23;
	_ =	sdelay $0x1  }
0xda: {  	v14 =	vnsel vm1, $0x0, v4;
	v11 =	vmul.f32 v11, v13  }
0xdb: {  	v4 =	vsub.f32 v4, v14;
	[tilespmem:s16+$0x2100] =	vst v3;
	v3 =	vadd.f32 v14, v8;
	v8 =	vmul.f32 v6, v26  }
0xdc: {  	[tilespmem:s16+$0x2080] =	vst v2;
	v2 =	vmul.f32 v5, v9  }
0xdd: {  	v4 =	vnsel vm0, $0x0, v4;
	[tilespmem:s16+$0x2000] =	vst v1;
	v1 =	vmul.f32 v3, v8  }
0xde: {  	[tilespmem:s17+$0x2000] =	vst v2;
	v2 =	vmul.f32 v7, v12;
	v3 =	vadd.f32 v4, v10;
	v4 =	vmul.f32 v6, v19  }
0xdf: {  	[tilespmem:s16+$0x2300] =	vst v1  }
0xe0: {  	[tilespmem:s16+$0x2200] =	vst v2;
	v1 =	vmul.f32 v3, v4  }
0xe1: {  	[tilespmem:s16+$0x2280] =	vst v11  }
0xe2: {  	[tilespmem:s13+$0x2000] =	vst v1  }
0xe3: {  	v1 =	vld [tilespmem:s16+$0x1000]  }
0xe4: {  	v2 =	vld [tilespmem:s16+$0x1080]  }
0xe5: {  	v3 =	vld [tilespmem:s16+$0x1100]  }
0xe6: {  	v4 =	vld [tilespmem:s17+$0x1000]  }
0xe7: {  	v5 =	vld [tilespmem:s16+$0x1200]  }
0xe8: {  	v6 =	vld [tilespmem:s16+$0x1280]  }
0xe9: {  	v7 =	vld [tilespmem:s16+$0x1300];
	v8 =	vmax.f32 v1, v2  }
0xea: {  	v9 =	vld [tilespmem:s13+$0x1000];
	v8 =	vmax.f32 v8, v3  }
0xeb: {  	v8 =	vmax.f32 v8, v4  }
0xec: {  	v8 =	vmax.f32 v8, v5  }
0xed: {  	v8 =	vmax.f32 v8, v6  }
0xee: {  	v8 =	vmax.f32 v8, v7  }
0xef: {  	v8 =	vmax.f32 v8, v9  }
0xf0: {  	v10 =	vsub.f32 v4, v8;
	vm0 =	veq.f32 v1, v8;
	vm1 =	veq.f32 v2, v8  }
0xf1: {  	v11 =	vsub.f32 v3, v8;
	v12 =	vsel vm0, $0x3F800000, v0;
	vm0 =	veq.f32 v3, v8  }
0xf2: {  	v13 =	vsub.f32 v2, v8;
	v10 =	vmul.f32 $1.442695020e+00, v10;
	v14 =	vsub.f32 $1.000000000e+00, v12  }
0xf3: {  	v15 =	vsub.f32 v1, v8;
	v16 =	vsub.f32 v5, v8;
	v11 =	vmul.f32 $1.442695020e+00, v11  }
0xf4: {  	v13 =	vmul.f32 $1.442695020e+00, v13;
	v17 =	vnsel vm1, $0x0, v14;
	(erf) = vpow2.f32 v10  }
0xf5: {  	v10 =	vmul.f32 $1.442695020e+00, v15;
	v14 =	vsub.f32 v14, v17;
	(erf) = vpow2.f32 v11  }
0xf6: {  	vm1 =	veq.f32 v4, v8;
	v11 =	vmul.f32 $1.442695020e+00, v16;
	(erf) = vpow2.f32 v13  }
0xf7: {  	v13 =	vsub.f32 v6, v8;
	v15 =	vnsel vm0, $0x0, v14;
	(erf) = vpow2.f32 v10  }
0xf8: {  	vm0 =	veq.f32 v5, v8;
	v10 =	vsub.f32 v14, v15;
	v14 =	vmul.f32 $3.000000010e+38, v15  }
0xf9: {  	v16 =	vsub.f32 v7, v8;
	v18 =	vmul.f32 $3.000000010e+38, v17;
	v13 =	vmul.f32 $1.442695020e+00, v13  }
0xfa: {  	v19 =	vsub.f32 v9, v8;
	v20 =	vnsel vm1, $0x0, v10;
	v3 =	vsub.f32 v3, v14  }
0xfb: {  	v2 =	vsub.f32 v2, v18;
	v10 =	vsub.f32 v10, v20;
	v21 =	vmul.f32 $3.000000010e+38, v20  }
0xfc: {  	v16 =	vmul.f32 $1.442695020e+00, v16;
	v18 =	vmul.f32 $1.442695020e+00, v19;
	vm1 =	veq.f32 v6, v8  }
0xfd: {  	v19 =	vnsel vm0, $0x0, v10;
	v4 =	vsub.f32 v4, v21;
	v14 =	vpop (erf);
	(erf) = vpow2.f32 v11  }
0xfe: {  	v11 =	vmul.f32 $3.000000010e+38, v12;
	v10 =	vsub.f32 v10, v19;
	v23 =	vmul.f32 $3.000000010e+38, v19;
	v22 =	vpop (erf)  }
0xff: {  	vm2 =	veq.f32 v9, v8;
	vm0 =	veq.f32 v7, v8;
	v8 =	vpop (erf);
	(erf) = vpow2.f32 v13  }
0x100: {  	v13 =	vnsel vm1, $0x0, v10;
	v5 =	vsub.f32 v5, v23;
	v21 =	vpop (erf);
	(erf) = vpow2.f32 v16  }
0x101: {  	v16 =	vadd.f32 v8, v21;
	v10 =	vsub.f32 v10, v13;
	v23 =	vmul.f32 $3.000000010e+38, v13  }
0x102: {  	v1 =	vsub.f32 v1, v11;
	(erf) = vpow2.f32 v18  }
0x103: {  	v11 =	vadd.f32 v16, v22;
	v16 =	vnsel vm0, $0x0, v10;
	v6 =	vsub.f32 v6, v23  }
0x104: {  	v10 =	vsub.f32 v10, v16;
	v18 =	vmul.f32 $3.000000010e+38, v16  }
0x105: {  	v24 =	vmax.f32 v1, v2;
	v11 =	vadd.f32 v11, v14  }
0x106: {  	v10 =	vnsel vm2, $0x0, v10;
	v7 =	vsub.f32 v7, v18;
	v18 =	vmax.f32 v24, v3;
	v23 =	vpop (erf)  }
0x107: {  	v11 =	vadd.f32 v11, v23;
	v26 =	vmul.f32 $3.000000010e+38, v10;
	v18 =	vmax.f32 v18, v4  }
0x108: {  	v18 =	vmax.f32 v18, v5;
	v25 =	vpop (erf)  }
0x109: {  	v11 =	vadd.f32 v11, v25;
	v9 =	vsub.f32 v9, v26;
	v18 =	vmax.f32 v18, v6;
	v24 =	vpop (erf)  }
0x10a: {  	v18 =	vmax.f32 v18, v7  }
0x10b: {  	v11 =	vadd.f32 v11, v24;
	v18 =	vmax.f32 v18, v9;
	v26 =	vpop (erf)  }
0x10c: {  	vm0 =	veq.f32 v1, v18;
	vm4 =	veq.f32 v4, v18;
	vm3 =	veq.f32 v5, v18  }
0x10d: {  	vm2 =	veq.f32 v6, v18;
	v1 =	vadd.f32 v11, v26;
	v4 =	vsel vm0, $0x3F800000, v0  }
0x10e: {  	vm1 =	veq.f32 v7, v18;
	v5 =	vsub.f32 $1.000000000e+00, v4;
	v4 =	vadd.f32 v4, v12  }
0x10f: {  	vm5 =	veq.f32 v2, v18;
	vm0 =	veq.f32 v9, v18;
	(erf) = vrcp.f32 v1  }
0x110: {  	v1 =	vnsel vm5, $0x0, v5  }
0x111: {  	v2 =	vsub.f32 v5, v1;
	v1 =	vadd.f32 v1, v17  }
0x112: {  	vm5 =	veq.f32 v3, v18  }
0x113: {  	v3 =	vnsel vm5, $0x0, v2  }
0x114: {  	v2 =	vsub.f32 v2, v3;
	v3 =	vadd.f32 v3, v15;
	_ =	sdelay $0x1  }
0x115: {  	v5 =	vnsel vm4, $0x0, v2  }
0x116: {  	v2 =	vsub.f32 v2, v5;
	v5 =	vadd.f32 v5, v20  }
0x117: {  	v6 =	vpop (erf)  }
0x118: {  	v7 =	vnsel vm3, $0x0, v2;
	v9 =	vmul.f32 v6, v21;
	v8 =	vmul.f32 v6, v8  }
0x119: {  	v11 =	vmul.f32 v6, v22;
	v12 =	vmul.f32 v6, v14;
	v2 =	vsub.f32 v2, v7  }
0x11a: {  	v7 =	vadd.f32 v7, v19;
	v4 =	vmul.f32 v4, v9;
	v9 =	vmul.f32 v6, v23  }
0x11b: {  	v1 =	vmul.f32 v1, v8;
	v3 =	vmul.f32 v3, v11;
	v14 =	vnsel vm2, $0x0, v2  }
0x11c: {  	v8 =	vmul.f32 v6, v25;
	v2 =	vsub.f32 v2, v14;
	[tilespmem:s16+$0x3000] =	vst v4;
	v4 =	vadd.f32 v14, v13  }
0x11d: {  	[tilespmem:s16+$0x3080] =	vst v1;
	v1 =	vmul.f32 v5, v12  }
0x11e: {  	v5 =	vnsel vm1, $0x0, v2;
	[tilespmem:s16+$0x3100] =	vst v3;
	v3 =	vmul.f32 v7, v9;
	v4 =	vmul.f32 v4, v8  }
.Ltmp0:
0x11f: {  	v2 =	vsub.f32 v2, v5;
	[tilespmem:s17+$0x3000] =	vst v1;
	v1 =	vadd.f32 v5, v16;
	v5 =	vmul.f32 v6, v24;
	(pc) =	sbr.rel @p0 .LBB2_2-.Ltmp0, $4  }
0x120: {  	[tilespmem:s16+$0x3280] =	vst v4  }
0x121: {  	v2 =	vnsel vm0, $0x0, v2;
	[tilespmem:s16+$0x3200] =	vst v3;
	v3 =	vmul.f32 v1, v5  }
0x122: {  	v1 =	vadd.f32 v2, v10  }
0x123: {  	v2 =	vmul.f32 v6, v26;
	[tilespmem:s16+$0x3300] =	vst v3  }
0x124: {  	_ = 	snop  }
0x125: {  	v1 =	vmul.f32 v1, v2;
	_ =	sdelay $0x1  }
0x126: {  	[tilespmem:s13+$0x3000] =	vst v1  }
0x127: {  	[hbm4b:s5+s2] =	stream.linear.scatter [tilespmem:s10], [sflag:$0x1], $0x1000, $0x38;
	[tilespmem:$0x4000] =	vst v63  }
0x128: {  	s12 =	sadd.s32 $0x1, s12;
	_ =	swait.ge [sflag:s8], $0x1000  }
0x129: {  	p0 =	sne.s32 s12, s7;
	[sflag:s8] =	ssyncset.done $0x0  }
.Ltmp1:
0x12a: {  	[sflag:s8] =	ssyncadd.s32 $0xFFFFF000;
	(pc) =	sbr.rel @p0 .LBB2_1-.Ltmp1, $4  }
0x12b: {  	[hbm4b:s6+s2] =	stream.linear.scatter [tilespmem:s11], [sflag:$0x1], $0x1000, $0x38;
	[tilespmem:$0x4000] =	vst v63  }
0x12c: {  	_ =	swait.ge [sflag:s8], $0x1000  }
0x12d: {  	[sflag:s8] =	ssyncset.done $0x0  }
0x12e: {  	[sflag:s8] =	ssyncadd.s32 $0xFFFFF000  }
0x12f: {  	_ =	sfence.sel $0x180000  }
0x130: {  	[bflag:$0x0] =	sbarrier.arrive $0xFFFF  }
0x131: {  	p0 =	sne.s32 s1, $0x0;
	_ =	strace $0x90000047  }
0x132: {  	s0 =	sadd.s32 @!p0 $0x100000, s0;
	[bflag:$0x2] =	sbarrier.arrive $0xFFFF  }
0x133: {  	[sflag:s0] =	ssyncadd.tile.s32 @!p0 $0x1;
	_ =	shalt  }
.Lfunc_end2:
_tile_overlayer_lowered:
.L_overlay_start_2:
0x134: {  	(tag) =	ssettag $0x2  }
0x135: {  	s0 =	rddreg [dreg:$0x0];
	s2 =	stileid.u32  }
0x136: {  	s1 =	rddreg [dreg:$0x1];
	p0 =	sne.s32 s2, $0x0  }
0x137: {  	s3 =	rddreg [dreg:$0x2];
	[bflag:$0x3] =	sbarrier.arrive $0xFFFF;
	s2 =	simm.s32 @!p0 $0x1C01  }
0x138: {  	[timem:s3], [sflag:s2] =	dma.local @!p0 [hbm:s0], s1  }
0x139: {  	s0 =	simm.s32 @!p0 $0x1  }
0x13a: {  	_ =	swait.ge @!p0 [sflag:s0], s1  }
0x13b: {  	s1 =	ssub.s32 @!p0 $0x0, s1;
	[sflag:s0] =	ssyncset.done @!p0 $0x0  }
0x13c: {  	[sflag:s0] =	ssyncadd.s32 @!p0 s1  }
0x13d: {  	[bflag:$0x3] =	sbarrier.arrive $0xFFFF  }
0x13e: {  	_ =	shalt  }

</sc_bundles>
